<compile_context>
chip_gen: v7x
topology: tpu7x:2x2x1
jax: 0.10.2.dev20260603
libtpu: 0.0.44.dev20260713+nightly
codegen_flags: <defaults>
</compile_context>

<pallas_src>
import functools

import jax
import jax.numpy as jnp
from jax import lax
from jax.experimental import pallas as pl
from jax.experimental.pallas import tpu as pltpu
from jax.experimental.pallas import tpu_sc as plsc

D = 2048
R = D // 4
L = 24
N = 576
T = 128
FINAL_K = 64

_PREC = lax.Precision.DEFAULT


def _score_body(x_ref, wk_ref, wqc_ref, sb_ref, z_ref):
    x = x_ref[0].astype(jnp.bfloat16)
    wk = wk_ref[...].astype(jnp.bfloat16)
    vT = lax.dot_general(wk, x, (((1,), (1,)), ((), ())),
                         preferred_element_type=jnp.float32,
                         precision=_PREC)
    wqc = wqc_ref[...]
    dot = jnp.sum(vT * wqc, axis=0, keepdims=True)
    sumv = jnp.sum(vT, axis=0, keepdims=True)
    ssq = jnp.sum(vT * vT, axis=0, keepdims=True)
    mu = sumv * (1.0 / D)
    var = ssq * (1.0 / D) - mu * mu
    denom = jnp.sqrt(var + 1e-5)
    s_sum = sb_ref[0]
    bq = sb_ref[1]
    score = (dot - mu * s_sum) / denom + bq
    m = jnp.mean(score)
    sd = jnp.sqrt(jnp.mean((score - m) ** 2))
    z_ref[0] = (score - m) / (sd + 1e-6)



_NTILE = 16
_PERW = (L * N) // _NTILE
_NVREG = _PERW // 16
_NEG = float("-inf")


def _bc16(x, dtype=jnp.int32):
    return jnp.full((16,), x, dtype)


def _shuf(v, idx):
    return lax.gather(
        v, idx[:, None],
        dimension_numbers=lax.GatherDimensionNumbers(
            offset_dims=(), collapsed_slice_dims=(0,), start_index_map=(0,)),
        slice_sizes=(1,),
        mode=lax.GatherScatterMode.PROMISE_IN_BOUNDS)


def _allreduce(v, op):
    lane = lax.broadcasted_iota(jnp.int32, (16,), 0)
    for s in (1, 2, 4, 8):
        v = op(v, _shuf(v, jnp.bitwise_xor(lane, s)))
    return v


def _allmax(v):
    return _allreduce(v, jnp.maximum)


def _allmin(v):
    return _allreduce(v, jnp.minimum)


def _sc_topk_body(z_hbm, x_hbm, out_hbm, buf_v, lc_v, sh_v, mc_v, fi_v,
                  idx8_v, rows_v, sem):
    wid = lax.axis_index("s")
    lane = lax.broadcasted_iota(jnp.int32, (16,), 0)
    lane0 = lane == 0
    on_core = lax.axis_index("c") == 0

    @pl.when(on_core)
    def _phase_a():
        base = wid * _PERW
        pltpu.sync_copy(z_hbm.at[pl.ds(base, _PERW)], buf_v)

        def round_body(r, carry):
            def scan_body(j, mc):
                maxv, maxi = mc
                v = buf_v[pl.ds(j * 16, 16)]
                idx = lane + j * 16
                upd = v > maxv
                return (jnp.where(upd, v, maxv), jnp.where(upd, idx, maxi))

            maxv, maxi = lax.fori_loop(
                0, _NVREG, scan_body,
                (jnp.full((16,), _NEG, jnp.float32), jnp.zeros((16,), jnp.int32)))
            m = _allmax(maxv)
            p = _allmin(jnp.where(maxv == m, maxi, _PERW))
            plsc.store_scatter(lc_v, [_bc16(r)], plsc.bitcast(m, jnp.int32),
                               mask=lane0)
            plsc.store_scatter(lc_v, [_bc16(r) + FINAL_K], p + base,
                               mask=lane0)
            plsc.store_scatter(buf_v, [p],
                               jnp.full((16,), _NEG, jnp.float32), mask=lane0)
            return carry

        lax.fori_loop(0, FINAL_K, round_body, 0)
        pltpu.sync_copy(lc_v, sh_v.at[wid])

    plsc.subcore_barrier()

    @pl.when(on_core & (wid == 0))
    def _phase_b():
        pltpu.sync_copy(sh_v, mc_v)
        heads0 = plsc.bitcast(
            plsc.load_gather(mc_v, [lane, jnp.zeros((16,), jnp.int32)]),
            jnp.float32)
        ptr0 = jnp.zeros((16,), jnp.int32)

        def merge_body(r, carry):
            heads, ptr = carry
            m = _allmax(heads)
            l = _allmin(jnp.where(heads == m, lane, _NTILE))
            eq = lane == l
            pv = _shuf(ptr, l)
            iv = plsc.load_gather(mc_v, [l, pv + FINAL_K])
            plsc.store_scatter(fi_v, [_bc16(r)], iv, mask=lane0)
            nxt = jnp.minimum(pv + 1, FINAL_K - 1)
            newhead = plsc.bitcast(plsc.load_gather(mc_v, [l, nxt]),
                                   jnp.float32)
            heads = jnp.where(eq & (pv + 1 >= FINAL_K), _NEG,
                              jnp.where(eq, newhead, heads))
            ptr = jnp.where(eq, ptr + 1, ptr)
            return (heads, ptr)

        lax.fori_loop(0, FINAL_K, merge_body, (heads0, ptr0))
        pltpu.sync_copy(fi_v, sh_v.at[0])

    plsc.subcore_barrier()

    @pl.when(on_core & (wid < 8))
    def _phase_c():
        pltpu.sync_copy(sh_v.at[0, pl.ds(wid * 8, 8)], idx8_v)
        pltpu.async_copy(x_hbm.at[idx8_v], rows_v, sem).wait()
        pltpu.sync_copy(rows_v, out_hbm.at[pl.ds(wid * 8, 8)])


def _sc_topk_gather(z_flat, x_flat):
    mesh = plsc.VectorSubcoreMesh(core_axis_name="c", subcore_axis_name="s")
    f = functools.partial(
        pl.kernel,
        out_type=jax.ShapeDtypeStruct((FINAL_K, D), jnp.float32),
        mesh=mesh,
        compiler_params=pltpu.CompilerParams(needs_layout_passes=False),
        scratch_types=[
            pltpu.VMEM((_PERW,), jnp.float32),
            pltpu.VMEM((2 * FINAL_K,), jnp.int32),
            pltpu.VMEM_SHARED((_NTILE, 2 * FINAL_K), jnp.int32),
            pltpu.VMEM((_NTILE, 2 * FINAL_K), jnp.int32),
            pltpu.VMEM((2 * FINAL_K,), jnp.int32),
            pltpu.VMEM((8,), jnp.int32),
            pltpu.VMEM((8, D), jnp.float32),
            pltpu.SemaphoreType.DMA,
        ],
    )(_sc_topk_body)
    return f(z_flat, x_flat)


def _ln_ref(x, w=None, b=None, eps=1e-5):
    mu = jnp.mean(x, axis=-1, keepdims=True)
    var = jnp.mean((x - mu) ** 2, axis=-1, keepdims=True)
    y = (x - mu) / jnp.sqrt(var + eps)
    if w is not None:
        y = y * w + b
    return y


def kernel(text_features, projected_layer_features, W1_w, W1_b, Wc_w, Wc_b,
           Wi_w, Wi_b, Wf_w, Wf_b, bc, bi, bf, Wq, Wk, ln_w, ln_b):
    X = projected_layer_features

    text_global = _ln_ref(jnp.mean(text_features, axis=0))
    y = jnp.mean(X, axis=1)

    def step(c_prev, y_l):
        c_prev_norm = jax.nn.sigmoid(c_prev)
        combined = jnp.concatenate([c_prev_norm, y_l, text_global], axis=-1)
        s = jax.nn.relu(combined @ W1_w.T + W1_b)
        c_tilde = jnp.tanh(s @ Wc_w.T + Wc_b + bc)
        i = jax.nn.sigmoid(s @ Wi_w.T + Wi_b + bi)
        f = jax.nn.sigmoid(s @ Wf_w.T + Wf_b + bf)
        c_l = f * c_prev + i * c_tilde
        return c_l, c_l

    c0 = jnp.zeros((D,), dtype=text_features.dtype)
    _, contexts = jax.lax.scan(step, c0, y)
    q = _ln_ref(contexts[-2] @ Wq.T, ln_w, ln_b)

    wq = (ln_w * q)
    sb = jnp.stack([jnp.sum(wq), jnp.dot(ln_b, q)])

    z = pl.pallas_call(
        _score_body,
        grid=(L,),
        in_specs=[
            pl.BlockSpec((1, N, D), lambda l: (l, 0, 0)),
            pl.BlockSpec((D, D), lambda l: (0, 0)),
            pl.BlockSpec((D, 1), lambda l: (0, 0)),
            pl.BlockSpec(memory_space=pltpu.SMEM),
        ],
        out_specs=pl.BlockSpec((1, 1, N), lambda l: (l, 0, 0)),
        out_shape=jax.ShapeDtypeStruct((L, 1, N), jnp.float32),
    )(X, Wk, wq.reshape(D, 1), sb)

    return _sc_topk_gather(z.reshape(-1), X.reshape(-1, D))

# --- scband reference (transcript-rebuilt; emitter-appended) ---
"""Pipeline reference for scband-text-conditioned-dynamic-layer-attention-82471962018661 (READ-ONLY COPY).

The authoritative reference and input builder live on the scoring server;
editing this copy changes nothing except your own understanding.
"""

import jax, jax.numpy as jnp
import numpy as np

D = 2048
R = D // 4
L = 24
N = 576
T = 128
FINAL_K = 64


def _ln(x, w=None, b=None, eps=1e-5):
    mu = jnp.mean(x, axis=-1, keepdims=True)
    var = jnp.mean((x - mu) ** 2, axis=-1, keepdims=True)
    y = (x - mu) / jnp.sqrt(var + eps)
    if w is not None:
        y = y * w + b
    return y


def setup_inputs(seed: int = 0) -> dict:
    key = jax.random.key(seed)
    ks = jax.random.split(key, 12)
    inp = {}
    inp["text_features"] = jax.random.normal(ks[0], (T, D), dtype=jnp.float32)
    inp["projected_layer_features"] = jax.random.normal(ks[1], (L, N, D), dtype=jnp.float32)
    inp["W1_w"] = jax.random.normal(ks[2], (R, 3 * D), dtype=jnp.float32) * 0.02
    inp["W1_b"] = jnp.zeros((R,), dtype=jnp.float32)
    inp["Wc_w"] = jax.random.normal(ks[3], (D, R), dtype=jnp.float32) * 0.02
    inp["Wc_b"] = jnp.zeros((D,), dtype=jnp.float32)
    inp["Wi_w"] = jax.random.normal(ks[4], (D, R), dtype=jnp.float32) * 0.02
    inp["Wi_b"] = jnp.zeros((D,), dtype=jnp.float32)
    inp["Wf_w"] = jax.random.normal(ks[5], (D, R), dtype=jnp.float32) * 0.02
    inp["Wf_b"] = jnp.zeros((D,), dtype=jnp.float32)
    inp["bc"] = jnp.zeros((D,), dtype=jnp.float32)
    inp["bi"] = jnp.zeros((D,), dtype=jnp.float32)
    inp["bf"] = jnp.zeros((D,), dtype=jnp.float32)
    inp["Wq"] = jax.random.normal(ks[6], (D, D), dtype=jnp.float32) * 0.02
    inp["Wk"] = jax.random.normal(ks[7], (D, D), dtype=jnp.float32) * 0.02
    inp["ln_w"] = jnp.ones((D,), dtype=jnp.float32)
    inp["ln_b"] = jnp.zeros((D,), dtype=jnp.float32)
    return inp


def reference(text_features, projected_layer_features, W1_w, W1_b, Wc_w, Wc_b, Wi_w, Wi_b, Wf_w, Wf_b, bc, bi, bf, Wq, Wk, ln_w, ln_b):
    # text_global = LayerNorm(mean over text tokens), no affine
    text_global = _ln(jnp.mean(text_features, axis=0))
    # per-layer mean-pooled features y_l
    y = jnp.mean(projected_layer_features, axis=1)  # [L, D]

    def step(c_prev, y_l):
        c_prev_norm = jax.nn.sigmoid(c_prev)
        combined = jnp.concatenate([c_prev_norm, y_l, text_global], axis=-1)
        s = jax.nn.relu(combined @ W1_w.T + W1_b)
        c_tilde = jnp.tanh(s @ Wc_w.T + Wc_b + bc)
        i = jax.nn.sigmoid(s @ Wi_w.T + Wi_b + bi)
        f = jax.nn.sigmoid(s @ Wf_w.T + Wf_b + bf)
        c_l = f * c_prev + i * c_tilde
        return c_l, c_l

    c0 = jnp.zeros((D,), dtype=text_features.dtype)
    _, contexts = jax.lax.scan(step, c0, y)
    c_final = contexts[-2]
    q = _ln(c_final @ Wq.T, ln_w, ln_b)  # [D]
    k = _ln(projected_layer_features @ Wk.T, ln_w, ln_b)  # [L, N, D]
    scores_raw = jnp.sum(k * q, axis=-1)  # [L, N]
    mean = jnp.mean(scores_raw, axis=1, keepdims=True)
    std = jnp.std(scores_raw, axis=1, keepdims=True)  # population std (unbiased=False)
    scores_z = (scores_raw - mean) / (std + 1e-6)
    flat_scores = scores_z.reshape(-1)  # [L*N], layer-major like torch.cat order
    flat_tokens = projected_layer_features.reshape(-1, D)
    top_scores, top_idx = jax.lax.top_k(flat_scores, FINAL_K)
    evidence_tokens = jnp.take(flat_tokens, top_idx, axis=0)  # [64, D]
    return evidence_tokens


if False:  # reference __main__ guard neutralized (emitter)
    out = reference(**setup_inputs())
    print(out.shape)

if __name__ == "__main__":
    import jax
    _d = setup_inputs()
    print(jax.jit(kernel)(*tuple(_d.values())))

</pallas_src>

<mosaic_0001>
#map = affine_map<(d0, d1) -> (0)>
#map1 = affine_map<(d0, d1) -> (0, 0)>
module attributes {stable_mosaic.version = 14 : i64} {
  func.func @_sc_topk_body(%arg0: i32, %arg1: i32, %arg2: memref<13824xf32, #tpu.memory_space<hbm>>, %arg3: memref<13824x2048xf32, #tpu.memory_space<hbm>>, %arg4: memref<64x2048xf32, #tpu.memory_space<hbm>>, %arg5: memref<864xf32, #tpu.memory_space<vmem>>, %arg6: memref<128xi32, #tpu.memory_space<vmem>>, %arg7: memref<16x128xi32, #tpu.memory_space<vmem_shared>>, %arg8: memref<16x128xi32, #tpu.memory_space<vmem>>, %arg9: memref<128xi32, #tpu.memory_space<vmem>>, %arg10: memref<8xi32, #tpu.memory_space<vmem>>, %arg11: memref<8x2048xf32, #tpu.memory_space<vmem>>, %arg12: memref<!tpu.dma_semaphore, #tpu.memory_space<semaphore_mem>>) attributes {dimension_semantics = [#tpu.dimension_semantics<core_parallel>, #tpu.dimension_semantics<subcore_parallel>], iteration_bounds = array<i64: 2, 16>, scalar_prefetch = 0 : i64, scratch_operands = 8 : i64, tpu.core_type = #tpu.core_type<sc_vector_subcore>, window_params = [{transform_indices = #map}, {transform_indices = #map1}, {transform_indices = #map1}]} {
    %iota3A = tpu.iota {dimensions = array<i32: 0>} : vector<16xi32>
    %eq3A = arith.constant 0 : i32
    %eq3A_0 = vector.broadcast %eq3A : i32 to vector<16xi32>
    %eq3A_1 = arith.cmpi eq, %iota3A, %eq3A_0 : vector<16xi32>
    %eq3A_2 = arith.constant 0 : i32
    %eq3A_3 = arith.cmpi eq, %arg0, %eq3A_2 : i32
    %convert_element_type3A = arith.extui %eq3A_3 : i1 to i32
    %cond3A = arith.constant 0 : i32
    %cond3A_4 = arith.cmpi ne, %convert_element_type3A, %cond3A : i32
    scf.if %cond3A_4 {
      %mul3A = arith.constant 864 : i32
      %mul3A_16 = arith.muli %arg1, %mul3A : i32
      "tpu.region"() ({
        %run_scoped3A = tpu.sem_alloc : memref<!tpu.dma_semaphore, #tpu.memory_space<semaphore_mem>>
        %dma_start3A = tpu.memref_slice %arg2[%mul3A_16] : memref<13824xf32, #tpu.memory_space<hbm>> -> memref<864xf32, #tpu.memory_space<hbm>>
        %dma_start3A_22 = tpu.memref_slice %arg2[%mul3A_16] : memref<13824xf32, #tpu.memory_space<hbm>> -> memref<864xf32, #tpu.memory_space<hbm>>
        tpu.enqueue_dma source(%dma_start3A_22 : memref<864xf32, #tpu.memory_space<hbm>>) target(%arg5 : memref<864xf32, #tpu.memory_space<vmem>>) target_semaphore(%run_scoped3A : memref<!tpu.dma_semaphore, #tpu.memory_space<semaphore_mem>>)
        %dma_wait3A = tpu.memref_slice %arg2[%mul3A_16] : memref<13824xf32, #tpu.memory_space<hbm>> -> memref<864xf32, #tpu.memory_space<hbm>>
        %dma_wait3A_23 = tpu.memref_slice %arg2[%mul3A_16] : memref<13824xf32, #tpu.memory_space<hbm>> -> memref<864xf32, #tpu.memory_space<hbm>>
        tpu.wait_dma2 semaphore(%run_scoped3A : memref<!tpu.dma_semaphore, #tpu.memory_space<semaphore_mem>>) src(%dma_wait3A_23 : memref<864xf32, #tpu.memory_space<hbm>>) dst(%arg5 : memref<864xf32, #tpu.memory_space<vmem>>)
        tpu.yield
      }) : () -> ()
      %scan3A = arith.constant 0 : i32
      %scan3A_17 = arith.constant 0 : i32
      %scan3A_18 = arith.constant 64 : i32
      %scan3A_19 = arith.addi %scan3A_17, %scan3A_18 : i32
      %scan3A_20 = arith.constant 1 : i32
      scf.for %scan3A_22 = %scan3A_17 to %scan3A_19 step %scan3A_20  : i32 {
        %broadcast_in_dim3A = arith.constant 0xFF800000 : f32
        %broadcast_in_dim3A_23 = vector.broadcast %broadcast_in_dim3A : f32 to vector<16xf32>
        %broadcast_in_dim3A_24 = arith.constant 0 : i32
        %broadcast_in_dim3A_25 = vector.broadcast %broadcast_in_dim3A_24 : i32 to vector<16xi32>
        %scan3A_26 = arith.constant 0 : i32
        %scan3A_27 = arith.constant 54 : i32
        %scan3A_28 = arith.addi %scan3A_26, %scan3A_27 : i32
        %scan3A_29 = arith.constant 1 : i32
        %scan3A_30:2 = scf.for %scan3A_96 = %scan3A_26 to %scan3A_28 step %scan3A_29 iter_args(%scan3A_97 = %broadcast_in_dim3A_23, %scan3A_98 = %broadcast_in_dim3A_25) -> (vector<16xf32>, vector<16xi32>)  : i32 {
          %mul3A_99 = arith.constant 16 : i32
          %mul3A_100 = arith.muli %scan3A_96, %mul3A_99 : i32
          %get3A = arith.index_cast %mul3A_100 : i32 to index
          %get3A_101 = tpu.vector_load %arg5[%get3A] {strides = array<i32>} : memref<864xf32, #tpu.memory_space<vmem>>, vector<16xf32>,
          %mul3A_102 = arith.constant 16 : i32
          %mul3A_103 = arith.muli %scan3A_96, %mul3A_102 : i32
          %add3A_104 = vector.broadcast %mul3A_103 : i32 to vector<16xi32>
          %add3A_105 = arith.addi %iota3A, %add3A_104 : vector<16xi32>
          %gt3A = arith.cmpf ogt, %get3A_101, %scan3A_97 : vector<16xf32>
          %select_n3A_106 = arith.select %gt3A, %get3A_101, %scan3A_97 : vector<16xi1>, vector<16xf32>
          %select_n3A_107 = arith.select %gt3A, %add3A_105, %scan3A_98 : vector<16xi1>, vector<16xi32>
          scf.yield %select_n3A_106, %select_n3A_107 : vector<16xf32>, vector<16xi32>
        }
        %scan3A_31 = arith.constant 54 : i32
        %iota3A_32 = tpu.iota {dimensions = array<i32: 0>} : vector<16xi32>
        %xor3A = arith.constant 1 : i32
        %xor3A_33 = vector.broadcast %xor3A : i32 to vector<16xi32>
        %xor3A_34 = arith.xori %iota3A_32, %xor3A_33 : vector<16xi32>
        %broadcast_in_dim3A_35 = vector.shape_cast %xor3A_34 : vector<16xi32> to vector<16x1xi32>
        %gather3A = vector.shape_cast %broadcast_in_dim3A_35 : vector<16x1xi32> to vector<16xi32>
        %gather3A_36 = tpu.dynamic_gather %scan3A_30#0[%gather3A] in [0] : vector<16xf32>, vector<16xi32> -> vector<16xf32>
        %max3A = arith.maximumf %scan3A_30#0, %gather3A_36 : vector<16xf32>
        %xor3A_37 = arith.constant 2 : i32
        %xor3A_38 = vector.broadcast %xor3A_37 : i32 to vector<16xi32>
        %xor3A_39 = arith.xori %iota3A_32, %xor3A_38 : vector<16xi32>
        %broadcast_in_dim3A_40 = vector.shape_cast %xor3A_39 : vector<16xi32> to vector<16x1xi32>
        %gather3A_41 = vector.shape_cast %broadcast_in_dim3A_40 : vector<16x1xi32> to vector<16xi32>
        %gather3A_42 = tpu.dynamic_gather %max3A[%gather3A_41] in [0] : vector<16xf32>, vector<16xi32> -> vector<16xf32>
        %max3A_43 = arith.maximumf %max3A, %gather3A_42 : vector<16xf32>
        %xor3A_44 = arith.constant 4 : i32
        %xor3A_45 = vector.broadcast %xor3A_44 : i32 to vector<16xi32>
        %xor3A_46 = arith.xori %iota3A_32, %xor3A_45 : vector<16xi32>
        %broadcast_in_dim3A_47 = vector.shape_cast %xor3A_46 : vector<16xi32> to vector<16x1xi32>
        %gather3A_48 = vector.shape_cast %broadcast_in_dim3A_47 : vector<16x1xi32> to vector<16xi32>
        %gather3A_49 = tpu.dynamic_gather %max3A_43[%gather3A_48] in [0] : vector<16xf32>, vector<16xi32> -> vector<16xf32>
        %max3A_50 = arith.maximumf %max3A_43, %gather3A_49 : vector<16xf32>
        %xor3A_51 = arith.constant 8 : i32
        %xor3A_52 = vector.broadcast %xor3A_51 : i32 to vector<16xi32>
        %xor3A_53 = arith.xori %iota3A_32, %xor3A_52 : vector<16xi32>
        %broadcast_in_dim3A_54 = vector.shape_cast %xor3A_53 : vector<16xi32> to vector<16x1xi32>
        %gather3A_55 = vector.shape_cast %broadcast_in_dim3A_54 : vector<16x1xi32> to vector<16xi32>
        %gather3A_56 = tpu.dynamic_gather %max3A_50[%gather3A_55] in [0] : vector<16xf32>, vector<16xi32> -> vector<16xf32>
        %max3A_57 = arith.maximumf %max3A_50, %gather3A_56 : vector<16xf32>
        %eq3A_58 = arith.cmpf oeq, %scan3A_30#0, %max3A_57 : vector<16xf32>
        %jit3A = arith.constant 864 : i32
        %broadcast_in_dim3A_59 = vector.broadcast %jit3A : i32 to vector<16xi32>
        %select_n3A = arith.select %eq3A_58, %scan3A_30#1, %broadcast_in_dim3A_59 : vector<16xi1>, vector<16xi32>
        %iota3A_60 = tpu.iota {dimensions = array<i32: 0>} : vector<16xi32>
        %xor3A_61 = arith.constant 1 : i32
        %xor3A_62 = vector.broadcast %xor3A_61 : i32 to vector<16xi32>
        %xor3A_63 = arith.xori %iota3A_60, %xor3A_62 : vector<16xi32>
        %broadcast_in_dim3A_64 = vector.shape_cast %xor3A_63 : vector<16xi32> to vector<16x1xi32>
        %gather3A_65 = vector.shape_cast %broadcast_in_dim3A_64 : vector<16x1xi32> to vector<16xi32>
        %gather3A_66 = tpu.dynamic_gather %select_n3A[%gather3A_65] in [0] : vector<16xi32>, vector<16xi32> -> vector<16xi32>
        %min3A = arith.minsi %select_n3A, %gather3A_66 : vector<16xi32>
        %xor3A_67 = arith.constant 2 : i32
        %xor3A_68 = vector.broadcast %xor3A_67 : i32 to vector<16xi32>
        %xor3A_69 = arith.xori %iota3A_60, %xor3A_68 : vector<16xi32>
        %broadcast_in_dim3A_70 = vector.shape_cast %xor3A_69 : vector<16xi32> to vector<16x1xi32>
        %gather3A_71 = vector.shape_cast %broadcast_in_dim3A_70 : vector<16x1xi32> to vector<16xi32>
        %gather3A_72 = tpu.dynamic_gather %min3A[%gather3A_71] in [0] : vector<16xi32>, vector<16xi32> -> vector<16xi32>
        %min3A_73 = arith.minsi %min3A, %gather3A_72 : vector<16xi32>
        %xor3A_74 = arith.constant 4 : i32
        %xor3A_75 = vector.broadcast %xor3A_74 : i32 to vector<16xi32>
        %xor3A_76 = arith.xori %iota3A_60, %xor3A_75 : vector<16xi32>
        %broadcast_in_dim3A_77 = vector.shape_cast %xor3A_76 : vector<16xi32> to vector<16x1xi32>
        %gather3A_78 = vector.shape_cast %broadcast_in_dim3A_77 : vector<16x1xi32> to vector<16xi32>
        %gather3A_79 = tpu.dynamic_gather %min3A_73[%gather3A_78] in [0] : vector<16xi32>, vector<16xi32> -> vector<16xi32>
        %min3A_80 = arith.minsi %min3A_73, %gather3A_79 : vector<16xi32>
        %xor3A_81 = arith.constant 8 : i32
        %xor3A_82 = vector.broadcast %xor3A_81 : i32 to vector<16xi32>
        %xor3A_83 = arith.xori %iota3A_60, %xor3A_82 : vector<16xi32>
        %broadcast_in_dim3A_84 = vector.shape_cast %xor3A_83 : vector<16xi32> to vector<16x1xi32>
        %gather3A_85 = vector.shape_cast %broadcast_in_dim3A_84 : vector<16x1xi32> to vector<16xi32>
        %gather3A_86 = tpu.dynamic_gather %min3A_80[%gather3A_85] in [0] : vector<16xi32>, vector<16xi32> -> vector<16xi32>
        %min3A_87 = arith.minsi %min3A_80, %gather3A_86 : vector<16xi32>
        %broadcast_in_dim3A_88 = vector.broadcast %scan3A_22 : i32 to vector<16xi32>
        %bitcast3A = vector.bitcast %max3A_57 : vector<16xf32> to vector<16xi32>
        tpu.vector_store_idx %arg6[%broadcast_in_dim3A_88], %bitcast3A masked %eq3A_1 : memref<128xi32, #tpu.memory_space<vmem>>[vector<16xi32>], vector<16xi32>, vector<16xi1>
        %broadcast_in_dim3A_89 = vector.broadcast %scan3A_22 : i32 to vector<16xi32>
        %add3A = arith.constant 64 : i32
        %add3A_90 = vector.broadcast %add3A : i32 to vector<16xi32>
        %add3A_91 = arith.addi %broadcast_in_dim3A_89, %add3A_90 : vector<16xi32>
        %add3A_92 = vector.broadcast %mul3A_16 : i32 to vector<16xi32>
        %add3A_93 = arith.addi %min3A_87, %add3A_92 : vector<16xi32>
        tpu.vector_store_idx %arg6[%add3A_91], %add3A_93 masked %eq3A_1 : memref<128xi32, #tpu.memory_space<vmem>>[vector<16xi32>], vector<16xi32>, vector<16xi1>
        %broadcast_in_dim3A_94 = arith.constant 0xFF800000 : f32
        %broadcast_in_dim3A_95 = vector.broadcast %broadcast_in_dim3A_94 : f32 to vector<16xf32>
        tpu.vector_store_idx %arg5[%min3A_87], %broadcast_in_dim3A_95 masked %eq3A_1 : memref<864xf32, #tpu.memory_space<vmem>>[vector<16xi32>], vector<16xf32>, vector<16xi1>
      }
      %scan3A_21 = arith.constant 64 : i32
      "tpu.region"() ({
        %run_scoped3A = tpu.sem_alloc : memref<!tpu.dma_semaphore, #tpu.memory_space<semaphore_mem>>
        %dma_start3A = arith.constant 0 : i32
        %dma_start3A_22 = tpu.memref_slice %arg7[%arg1, %dma_start3A] : memref<16x128xi32, #tpu.memory_space<vmem_shared>> -> memref<1x128xi32, #tpu.memory_space<vmem_shared>>
        %dma_start3A_23 = tpu.memref_squeeze %dma_start3A_22 : memref<1x128xi32, #tpu.memory_space<vmem_shared>> -> memref<128xi32, #tpu.memory_space<vmem_shared>>
        %dma_start3A_24 = arith.constant 0 : i32
        %dma_start3A_25 = tpu.memref_slice %arg7[%arg1, %dma_start3A_24] : memref<16x128xi32, #tpu.memory_space<vmem_shared>> -> memref<1x128xi32, #tpu.memory_space<vmem_shared>>
        %dma_start3A_26 = tpu.memref_squeeze %dma_start3A_25 : memref<1x128xi32, #tpu.memory_space<vmem_shared>> -> memref<128xi32, #tpu.memory_space<vmem_shared>>
        tpu.enqueue_dma source(%arg6 : memref<128xi32, #tpu.memory_space<vmem>>) target(%dma_start3A_26 : memref<128xi32, #tpu.memory_space<vmem_shared>>) target_semaphore(%run_scoped3A : memref<!tpu.dma_semaphore, #tpu.memory_space<semaphore_mem>>)
        %dma_wait3A = arith.constant 0 : i32
        %dma_wait3A_27 = tpu.memref_slice %arg7[%arg1, %dma_wait3A] : memref<16x128xi32, #tpu.memory_space<vmem_shared>> -> memref<1x128xi32, #tpu.memory_space<vmem_shared>>
        %dma_wait3A_28 = tpu.memref_squeeze %dma_wait3A_27 : memref<1x128xi32, #tpu.memory_space<vmem_shared>> -> memref<128xi32, #tpu.memory_space<vmem_shared>>
        %dma_wait3A_29 = arith.constant 0 : i32
        %dma_wait3A_30 = tpu.memref_slice %arg7[%arg1, %dma_wait3A_29] : memref<16x128xi32, #tpu.memory_space<vmem_shared>> -> memref<1x128xi32, #tpu.memory_space<vmem_shared>>
        %dma_wait3A_31 = tpu.memref_squeeze %dma_wait3A_30 : memref<1x128xi32, #tpu.memory_space<vmem_shared>> -> memref<128xi32, #tpu.memory_space<vmem_shared>>
        tpu.wait_dma2 semaphore(%run_scoped3A : memref<!tpu.dma_semaphore, #tpu.memory_space<semaphore_mem>>) src(%arg6 : memref<128xi32, #tpu.memory_space<vmem>>) dst(%dma_wait3A_31 : memref<128xi32, #tpu.memory_space<vmem_shared>>)
        tpu.yield
      }) : () -> ()
    } else {
    }
    %barrier3A = arith.constant 0 : index
    tpu.barrier barrier_id(%barrier3A)
    %eq3A_5 = arith.constant 0 : i32
    %eq3A_6 = arith.cmpi eq, %arg1, %eq3A_5 : i32
    %and3A = arith.andi %eq3A_3, %eq3A_6 : i1
    %convert_element_type3A_7 = arith.extui %and3A : i1 to i32
    %cond3A_8 = arith.constant 0 : i32
    %cond3A_9 = arith.cmpi ne, %convert_element_type3A_7, %cond3A_8 : i32
    scf.if %cond3A_9 {
      "tpu.region"() ({
        %run_scoped3A_24 = tpu.sem_alloc : memref<!tpu.dma_semaphore, #tpu.memory_space<semaphore_mem>>
        tpu.enqueue_dma source(%arg7 : memref<16x128xi32, #tpu.memory_space<vmem_shared>>) target(%arg8 : memref<16x128xi32, #tpu.memory_space<vmem>>) target_semaphore(%run_scoped3A_24 : memref<!tpu.dma_semaphore, #tpu.memory_space<semaphore_mem>>)
        tpu.wait_dma2 semaphore(%run_scoped3A_24 : memref<!tpu.dma_semaphore, #tpu.memory_space<semaphore_mem>>) src(%arg7 : memref<16x128xi32, #tpu.memory_space<vmem_shared>>) dst(%arg8 : memref<16x128xi32, #tpu.memory_space<vmem>>)
        tpu.yield
      }) : () -> ()
      %broadcast_in_dim3A = arith.constant 0 : i32
      %broadcast_in_dim3A_16 = vector.broadcast %broadcast_in_dim3A : i32 to vector<16xi32>
      %gather3A = tpu.vector_load_idx %arg8[%iota3A, %broadcast_in_dim3A_16] : memref<16x128xi32, #tpu.memory_space<vmem>>[vector<16xi32>, vector<16xi32>], vector<16xi32>,
      %bitcast3A = vector.bitcast %gather3A : vector<16xi32> to vector<16xf32>
      %broadcast_in_dim3A_17 = arith.constant 0 : i32
      %broadcast_in_dim3A_18 = vector.broadcast %broadcast_in_dim3A_17 : i32 to vector<16xi32>
      %scan3A = arith.constant 0 : i32
      %scan3A_19 = arith.constant 64 : i32
      %scan3A_20 = arith.addi %scan3A, %scan3A_19 : i32
      %scan3A_21 = arith.constant 1 : i32
      %scan3A_22:2 = scf.for %scan3A_24 = %scan3A to %scan3A_20 step %scan3A_21 iter_args(%scan3A_25 = %bitcast3A, %scan3A_26 = %broadcast_in_dim3A_18) -> (vector<16xf32>, vector<16xi32>)  : i32 {
        %iota3A_27 = tpu.iota {dimensions = array<i32: 0>} : vector<16xi32>
        %xor3A = arith.constant 1 : i32
        %xor3A_28 = vector.broadcast %xor3A : i32 to vector<16xi32>
        %xor3A_29 = arith.xori %iota3A_27, %xor3A_28 : vector<16xi32>
        %broadcast_in_dim3A_30 = vector.shape_cast %xor3A_29 : vector<16xi32> to vector<16x1xi32>
        %gather3A_31 = vector.shape_cast %broadcast_in_dim3A_30 : vector<16x1xi32> to vector<16xi32>
        %gather3A_32 = tpu.dynamic_gather %scan3A_25[%gather3A_31] in [0] : vector<16xf32>, vector<16xi32> -> vector<16xf32>
        %max3A = arith.maximumf %scan3A_25, %gather3A_32 : vector<16xf32>
        %xor3A_33 = arith.constant 2 : i32
        %xor3A_34 = vector.broadcast %xor3A_33 : i32 to vector<16xi32>
        %xor3A_35 = arith.xori %iota3A_27, %xor3A_34 : vector<16xi32>
        %broadcast_in_dim3A_36 = vector.shape_cast %xor3A_35 : vector<16xi32> to vector<16x1xi32>
        %gather3A_37 = vector.shape_cast %broadcast_in_dim3A_36 : vector<16x1xi32> to vector<16xi32>
        %gather3A_38 = tpu.dynamic_gather %max3A[%gather3A_37] in [0] : vector<16xf32>, vector<16xi32> -> vector<16xf32>
        %max3A_39 = arith.maximumf %max3A, %gather3A_38 : vector<16xf32>
        %xor3A_40 = arith.constant 4 : i32
        %xor3A_41 = vector.broadcast %xor3A_40 : i32 to vector<16xi32>
        %xor3A_42 = arith.xori %iota3A_27, %xor3A_41 : vector<16xi32>
        %broadcast_in_dim3A_43 = vector.shape_cast %xor3A_42 : vector<16xi32> to vector<16x1xi32>
        %gather3A_44 = vector.shape_cast %broadcast_in_dim3A_43 : vector<16x1xi32> to vector<16xi32>
        %gather3A_45 = tpu.dynamic_gather %max3A_39[%gather3A_44] in [0] : vector<16xf32>, vector<16xi32> -> vector<16xf32>
        %max3A_46 = arith.maximumf %max3A_39, %gather3A_45 : vector<16xf32>
        %xor3A_47 = arith.constant 8 : i32
        %xor3A_48 = vector.broadcast %xor3A_47 : i32 to vector<16xi32>
        %xor3A_49 = arith.xori %iota3A_27, %xor3A_48 : vector<16xi32>
        %broadcast_in_dim3A_50 = vector.shape_cast %xor3A_49 : vector<16xi32> to vector<16x1xi32>
        %gather3A_51 = vector.shape_cast %broadcast_in_dim3A_50 : vector<16x1xi32> to vector<16xi32>
        %gather3A_52 = tpu.dynamic_gather %max3A_46[%gather3A_51] in [0] : vector<16xf32>, vector<16xi32> -> vector<16xf32>
        %max3A_53 = arith.maximumf %max3A_46, %gather3A_52 : vector<16xf32>
        %eq3A_54 = arith.cmpf oeq, %scan3A_25, %max3A_53 : vector<16xf32>
        %jit3A = arith.constant 16 : i32
        %broadcast_in_dim3A_55 = vector.broadcast %jit3A : i32 to vector<16xi32>
        %select_n3A = arith.select %eq3A_54, %iota3A, %broadcast_in_dim3A_55 : vector<16xi1>, vector<16xi32>
        %iota3A_56 = tpu.iota {dimensions = array<i32: 0>} : vector<16xi32>
        %xor3A_57 = arith.constant 1 : i32
        %xor3A_58 = vector.broadcast %xor3A_57 : i32 to vector<16xi32>
        %xor3A_59 = arith.xori %iota3A_56, %xor3A_58 : vector<16xi32>
        %broadcast_in_dim3A_60 = vector.shape_cast %xor3A_59 : vector<16xi32> to vector<16x1xi32>
        %gather3A_61 = vector.shape_cast %broadcast_in_dim3A_60 : vector<16x1xi32> to vector<16xi32>
        %gather3A_62 = tpu.dynamic_gather %select_n3A[%gather3A_61] in [0] : vector<16xi32>, vector<16xi32> -> vector<16xi32>
        %min3A = arith.minsi %select_n3A, %gather3A_62 : vector<16xi32>
        %xor3A_63 = arith.constant 2 : i32
        %xor3A_64 = vector.broadcast %xor3A_63 : i32 to vector<16xi32>
        %xor3A_65 = arith.xori %iota3A_56, %xor3A_64 : vector<16xi32>
        %broadcast_in_dim3A_66 = vector.shape_cast %xor3A_65 : vector<16xi32> to vector<16x1xi32>
        %gather3A_67 = vector.shape_cast %broadcast_in_dim3A_66 : vector<16x1xi32> to vector<16xi32>
        %gather3A_68 = tpu.dynamic_gather %min3A[%gather3A_67] in [0] : vector<16xi32>, vector<16xi32> -> vector<16xi32>
        %min3A_69 = arith.minsi %min3A, %gather3A_68 : vector<16xi32>
        %xor3A_70 = arith.constant 4 : i32
        %xor3A_71 = vector.broadcast %xor3A_70 : i32 to vector<16xi32>
        %xor3A_72 = arith.xori %iota3A_56, %xor3A_71 : vector<16xi32>
        %broadcast_in_dim3A_73 = vector.shape_cast %xor3A_72 : vector<16xi32> to vector<16x1xi32>
        %gather3A_74 = vector.shape_cast %broadcast_in_dim3A_73 : vector<16x1xi32> to vector<16xi32>
        %gather3A_75 = tpu.dynamic_gather %min3A_69[%gather3A_74] in [0] : vector<16xi32>, vector<16xi32> -> vector<16xi32>
        %min3A_76 = arith.minsi %min3A_69, %gather3A_75 : vector<16xi32>
        %xor3A_77 = arith.constant 8 : i32
        %xor3A_78 = vector.broadcast %xor3A_77 : i32 to vector<16xi32>
        %xor3A_79 = arith.xori %iota3A_56, %xor3A_78 : vector<16xi32>
        %broadcast_in_dim3A_80 = vector.shape_cast %xor3A_79 : vector<16xi32> to vector<16x1xi32>
        %gather3A_81 = vector.shape_cast %broadcast_in_dim3A_80 : vector<16x1xi32> to vector<16xi32>
        %gather3A_82 = tpu.dynamic_gather %min3A_76[%gather3A_81] in [0] : vector<16xi32>, vector<16xi32> -> vector<16xi32>
        %min3A_83 = arith.minsi %min3A_76, %gather3A_82 : vector<16xi32>
        %eq3A_84 = arith.cmpi eq, %iota3A, %min3A_83 : vector<16xi32>
        %broadcast_in_dim3A_85 = vector.shape_cast %min3A_83 : vector<16xi32> to vector<16x1xi32>
        %gather3A_86 = vector.shape_cast %broadcast_in_dim3A_85 : vector<16x1xi32> to vector<16xi32>
        %gather3A_87 = tpu.dynamic_gather %scan3A_26[%gather3A_86] in [0] : vector<16xi32>, vector<16xi32> -> vector<16xi32>
        %add3A = arith.constant 64 : i32
        %add3A_88 = vector.broadcast %add3A : i32 to vector<16xi32>
        %add3A_89 = arith.addi %gather3A_87, %add3A_88 : vector<16xi32>
        %gather3A_90 = tpu.vector_load_idx %arg8[%min3A_83, %add3A_89] : memref<16x128xi32, #tpu.memory_space<vmem>>[vector<16xi32>, vector<16xi32>], vector<16xi32>,
        %broadcast_in_dim3A_91 = vector.broadcast %scan3A_24 : i32 to vector<16xi32>
        tpu.vector_store_idx %arg9[%broadcast_in_dim3A_91], %gather3A_90 masked %eq3A_1 : memref<128xi32, #tpu.memory_space<vmem>>[vector<16xi32>], vector<16xi32>, vector<16xi1>
        %add3A_92 = arith.constant 1 : i32
        %add3A_93 = vector.broadcast %add3A_92 : i32 to vector<16xi32>
        %add3A_94 = arith.addi %gather3A_87, %add3A_93 : vector<16xi32>
        %min3A_95 = arith.constant 63 : i32
        %min3A_96 = vector.broadcast %min3A_95 : i32 to vector<16xi32>
        %min3A_97 = arith.minsi %add3A_94, %min3A_96 : vector<16xi32>
        %gather3A_98 = tpu.vector_load_idx %arg8[%min3A_83, %min3A_97] : memref<16x128xi32, #tpu.memory_space<vmem>>[vector<16xi32>, vector<16xi32>], vector<16xi32>,
        %bitcast3A_99 = vector.bitcast %gather3A_98 : vector<16xi32> to vector<16xf32>
        %add3A_100 = arith.constant 1 : i32
        %add3A_101 = vector.broadcast %add3A_100 : i32 to vector<16xi32>
        %add3A_102 = arith.addi %gather3A_87, %add3A_101 : vector<16xi32>
        %ge3A = arith.constant 64 : i32
        %ge3A_103 = vector.broadcast %ge3A : i32 to vector<16xi32>
        %ge3A_104 = arith.cmpi sge, %add3A_102, %ge3A_103 : vector<16xi32>
        %and3A_105 = arith.andi %eq3A_84, %ge3A_104 : vector<16xi1>
        %select_n3A_106 = arith.select %eq3A_84, %bitcast3A_99, %scan3A_25 : vector<16xi1>, vector<16xf32>
        %jit3A_107 = arith.constant 0xFF800000 : f32
        %broadcast_in_dim3A_108 = vector.broadcast %jit3A_107 : f32 to vector<16xf32>
        %select_n3A_109 = arith.select %and3A_105, %broadcast_in_dim3A_108, %select_n3A_106 : vector<16xi1>, vector<16xf32>
        %add3A_110 = arith.constant 1 : i32
        %add3A_111 = vector.broadcast %add3A_110 : i32 to vector<16xi32>
        %add3A_112 = arith.addi %scan3A_26, %add3A_111 : vector<16xi32>
        %select_n3A_113 = arith.select %eq3A_84, %add3A_112, %scan3A_26 : vector<16xi1>, vector<16xi32>
        scf.yield %select_n3A_109, %select_n3A_113 : vector<16xf32>, vector<16xi32>
      }
      %scan3A_23 = arith.constant 64 : i32
      %run_scoped3A = arith.constant 0 : i32
      "tpu.region"() ({
        %run_scoped3A_24 = tpu.sem_alloc : memref<!tpu.dma_semaphore, #tpu.memory_space<semaphore_mem>>
        %dma_start3A = arith.constant 0 : i32
        %dma_start3A_25 = tpu.memref_slice %arg7[%run_scoped3A, %dma_start3A] : memref<16x128xi32, #tpu.memory_space<vmem_shared>> -> memref<1x128xi32, #tpu.memory_space<vmem_shared>>
        %dma_start3A_26 = tpu.memref_squeeze %dma_start3A_25 : memref<1x128xi32, #tpu.memory_space<vmem_shared>> -> memref<128xi32, #tpu.memory_space<vmem_shared>>
        %dma_start3A_27 = arith.constant 0 : i32
        %dma_start3A_28 = tpu.memref_slice %arg7[%run_scoped3A, %dma_start3A_27] : memref<16x128xi32, #tpu.memory_space<vmem_shared>> -> memref<1x128xi32, #tpu.memory_space<vmem_shared>>
        %dma_start3A_29 = tpu.memref_squeeze %dma_start3A_28 : memref<1x128xi32, #tpu.memory_space<vmem_shared>> -> memref<128xi32, #tpu.memory_space<vmem_shared>>
        tpu.enqueue_dma source(%arg9 : memref<128xi32, #tpu.memory_space<vmem>>) target(%dma_start3A_29 : memref<128xi32, #tpu.memory_space<vmem_shared>>) target_semaphore(%run_scoped3A_24 : memref<!tpu.dma_semaphore, #tpu.memory_space<semaphore_mem>>)
        %dma_wait3A = arith.constant 0 : i32
        %dma_wait3A_30 = tpu.memref_slice %arg7[%run_scoped3A, %dma_wait3A] : memref<16x128xi32, #tpu.memory_space<vmem_shared>> -> memref<1x128xi32, #tpu.memory_space<vmem_shared>>
        %dma_wait3A_31 = tpu.memref_squeeze %dma_wait3A_30 : memref<1x128xi32, #tpu.memory_space<vmem_shared>> -> memref<128xi32, #tpu.memory_space<vmem_shared>>
        %dma_wait3A_32 = arith.constant 0 : i32
        %dma_wait3A_33 = tpu.memref_slice %arg7[%run_scoped3A, %dma_wait3A_32] : memref<16x128xi32, #tpu.memory_space<vmem_shared>> -> memref<1x128xi32, #tpu.memory_space<vmem_shared>>
        %dma_wait3A_34 = tpu.memref_squeeze %dma_wait3A_33 : memref<1x128xi32, #tpu.memory_space<vmem_shared>> -> memref<128xi32, #tpu.memory_space<vmem_shared>>
        tpu.wait_dma2 semaphore(%run_scoped3A_24 : memref<!tpu.dma_semaphore, #tpu.memory_space<semaphore_mem>>) src(%arg9 : memref<128xi32, #tpu.memory_space<vmem>>) dst(%dma_wait3A_34 : memref<128xi32, #tpu.memory_space<vmem_shared>>)
        tpu.yield
      }) : () -> ()
    } else {
    }
    %barrier3A_10 = arith.constant 0 : index
    tpu.barrier barrier_id(%barrier3A_10)
    %lt3A = arith.constant 8 : i32
    %lt3A_11 = arith.cmpi slt, %arg1, %lt3A : i32
    %and3A_12 = arith.andi %eq3A_3, %lt3A_11 : i1
    %convert_element_type3A_13 = arith.extui %and3A_12 : i1 to i32
    %cond3A_14 = arith.constant 0 : i32
    %cond3A_15 = arith.cmpi ne, %convert_element_type3A_13, %cond3A_14 : i32
    scf.if %cond3A_15 {
      %mul3A = arith.constant 8 : i32
      %mul3A_16 = arith.muli %arg1, %mul3A : i32
      %run_scoped3A = arith.constant 0 : i32
      "tpu.region"() ({
        %run_scoped3A_23 = tpu.sem_alloc : memref<!tpu.dma_semaphore, #tpu.memory_space<semaphore_mem>>
        %dma_start3A_24 = tpu.memref_slice %arg7[%run_scoped3A, %mul3A_16] : memref<16x128xi32, #tpu.memory_space<vmem_shared>> -> memref<1x8xi32, #tpu.memory_space<vmem_shared>>
        %dma_start3A_25 = tpu.memref_squeeze %dma_start3A_24 : memref<1x8xi32, #tpu.memory_space<vmem_shared>> -> memref<8xi32, #tpu.memory_space<vmem_shared>>
        %dma_start3A_26 = tpu.memref_slice %arg7[%run_scoped3A, %mul3A_16] : memref<16x128xi32, #tpu.memory_space<vmem_shared>> -> memref<1x8xi32, #tpu.memory_space<vmem_shared>>
        %dma_start3A_27 = tpu.memref_squeeze %dma_start3A_26 : memref<1x8xi32, #tpu.memory_space<vmem_shared>> -> memref<8xi32, #tpu.memory_space<vmem_shared>>
        tpu.enqueue_dma source(%dma_start3A_27 : memref<8xi32, #tpu.memory_space<vmem_shared>>) target(%arg10 : memref<8xi32, #tpu.memory_space<vmem>>) target_semaphore(%run_scoped3A_23 : memref<!tpu.dma_semaphore, #tpu.memory_space<semaphore_mem>>)
        %dma_wait3A_28 = tpu.memref_slice %arg7[%run_scoped3A, %mul3A_16] : memref<16x128xi32, #tpu.memory_space<vmem_shared>> -> memref<1x8xi32, #tpu.memory_space<vmem_shared>>
        %dma_wait3A_29 = tpu.memref_squeeze %dma_wait3A_28 : memref<1x8xi32, #tpu.memory_space<vmem_shared>> -> memref<8xi32, #tpu.memory_space<vmem_shared>>
        %dma_wait3A_30 = tpu.memref_slice %arg7[%run_scoped3A, %mul3A_16] : memref<16x128xi32, #tpu.memory_space<vmem_shared>> -> memref<1x8xi32, #tpu.memory_space<vmem_shared>>
        %dma_wait3A_31 = tpu.memref_squeeze %dma_wait3A_30 : memref<1x8xi32, #tpu.memory_space<vmem_shared>> -> memref<8xi32, #tpu.memory_space<vmem_shared>>
        tpu.wait_dma2 semaphore(%run_scoped3A_23 : memref<!tpu.dma_semaphore, #tpu.memory_space<semaphore_mem>>) src(%dma_wait3A_31 : memref<8xi32, #tpu.memory_space<vmem_shared>>) dst(%arg10 : memref<8xi32, #tpu.memory_space<vmem>>)
        tpu.yield
      }) : () -> ()
      %dma_start3A = arith.constant 0 : i32
      %dma_start3A_17 = arith.constant 0 : i32
      %dma_start3A_18 = tpu.memref_slice %arg3[%dma_start3A, %dma_start3A_17] : memref<13824x2048xf32, #tpu.memory_space<hbm>> -> memref<13824x2048xf32, #tpu.memory_space<hbm>>
      tpu.enqueue_indirect_dma source(%dma_start3A_18 : memref<13824x2048xf32, #tpu.memory_space<hbm>>) target(%arg11 : memref<8x2048xf32, #tpu.memory_space<vmem>>) offsets(%arg10 : memref<8xi32, #tpu.memory_space<vmem>>) semaphore(%arg12 : memref<!tpu.dma_semaphore, #tpu.memory_space<semaphore_mem>>)
      %dma_wait3A = arith.constant 0 : i32
      %dma_wait3A_19 = arith.constant 0 : i32
      %dma_wait3A_20 = tpu.memref_slice %arg3[%dma_wait3A, %dma_wait3A_19] : memref<13824x2048xf32, #tpu.memory_space<hbm>> -> memref<13824x2048xf32, #tpu.memory_space<hbm>>
      tpu.wait_indirect_dma semaphore(%arg12 : memref<!tpu.dma_semaphore, #tpu.memory_space<semaphore_mem>>) src(%dma_wait3A_20 : memref<13824x2048xf32, #tpu.memory_space<hbm>>) dst(%arg11 : memref<8x2048xf32, #tpu.memory_space<vmem>>)
      %mul3A_21 = arith.constant 8 : i32
      %mul3A_22 = arith.muli %arg1, %mul3A_21 : i32
      "tpu.region"() ({
        %run_scoped3A_23 = tpu.sem_alloc : memref<!tpu.dma_semaphore, #tpu.memory_space<semaphore_mem>>
        %dma_start3A_24 = arith.constant 0 : i32
        %dma_start3A_25 = tpu.memref_slice %arg4[%mul3A_22, %dma_start3A_24] : memref<64x2048xf32, #tpu.memory_space<hbm>> -> memref<8x2048xf32, #tpu.memory_space<hbm>>
        %dma_start3A_26 = arith.constant 0 : i32
        %dma_start3A_27 = tpu.memref_slice %arg4[%mul3A_22, %dma_start3A_26] : memref<64x2048xf32, #tpu.memory_space<hbm>> -> memref<8x2048xf32, #tpu.memory_space<hbm>>
        tpu.enqueue_dma source(%arg11 : memref<8x2048xf32, #tpu.memory_space<vmem>>) target(%dma_start3A_27 : memref<8x2048xf32, #tpu.memory_space<hbm>>) target_semaphore(%run_scoped3A_23 : memref<!tpu.dma_semaphore, #tpu.memory_space<semaphore_mem>>)
        %dma_wait3A_28 = arith.constant 0 : i32
        %dma_wait3A_29 = tpu.memref_slice %arg4[%mul3A_22, %dma_wait3A_28] : memref<64x2048xf32, #tpu.memory_space<hbm>> -> memref<8x2048xf32, #tpu.memory_space<hbm>>
        %dma_wait3A_30 = arith.constant 0 : i32
        %dma_wait3A_31 = tpu.memref_slice %arg4[%mul3A_22, %dma_wait3A_30] : memref<64x2048xf32, #tpu.memory_space<hbm>> -> memref<8x2048xf32, #tpu.memory_space<hbm>>
        tpu.wait_dma2 semaphore(%run_scoped3A_23 : memref<!tpu.dma_semaphore, #tpu.memory_space<semaphore_mem>>) src(%arg11 : memref<8x2048xf32, #tpu.memory_space<vmem>>) dst(%dma_wait3A_31 : memref<8x2048xf32, #tpu.memory_space<hbm>>)
        tpu.yield
      }) : () -> ()
    } else {
    }
    return
  }
}

module attributes {stable_mosaic.version = 14 : i64} {
  func.func @_score_body(%arg0: i32, %arg1: memref<1x576x2048xf32, #tpu.memory_space<vmem>>, %arg2: memref<2048x2048xf32, #tpu.memory_space<vmem>>, %arg3: memref<2048x1xf32, #tpu.memory_space<vmem>>, %arg4: memref<2xf32, #tpu.memory_space<smem>>, %arg5: memref<1x1x576xf32, #tpu.memory_space<vmem>>) attributes {dimension_semantics = [#tpu.dimension_semantics<arbitrary>], iteration_bounds = array<i64: 24>, scalar_prefetch = 0 : i64, scratch_operands = 0 : i64, tpu.core_type = #tpu.core_type<tc>, window_params = [{transform_indices = @transform_0, window_bounds = array<i64: 1, 576, 2048>}, {pipeline_mode = #tpu.pipeline_mode<synchronous>, transform_indices = @transform_1, window_bounds = array<i64: 2048, 2048>}, {pipeline_mode = #tpu.pipeline_mode<synchronous>, transform_indices = @transform_2, window_bounds = array<i64: 2048, 1>}, {transform_indices = @transform_3, window_bounds = array<i64: 2>}, {transform_indices = @transform_4, window_bounds = array<i64: 1, 1, 576>}]} {
    %get3A = arith.constant 0 : index
    %get3A_0 = arith.constant 0 : index
    %get3A_1 = arith.constant 0 : index
    %get3A_2 = vector.load %arg1[%get3A, %get3A_0, %get3A_1] : memref<1x576x2048xf32, #tpu.memory_space<vmem>>, vector<1x576x2048xf32>
    %get3A_3 = vector.shape_cast %get3A_2 : vector<1x576x2048xf32> to vector<576x2048xf32>
    %convert_element_type3A = arith.truncf %get3A_3 : vector<576x2048xf32> to vector<576x2048xbf16>
    %get3A_4 = arith.constant 0 : index
    %get3A_5 = arith.constant 0 : index
    %get3A_6 = vector.load %arg2[%get3A_4, %get3A_5] : memref<2048x2048xf32, #tpu.memory_space<vmem>>, vector<2048x2048xf32>
    %convert_element_type3A_7 = arith.truncf %get3A_6 : vector<2048x2048xf32> to vector<2048x2048xbf16>
    %dot_general3A = arith.constant dense<0.000000e+00> : vector<2048x576xf32>
    %dot_general3A_8 = tpu.matmul %convert_element_type3A_7, %convert_element_type3A, %dot_general3A {dimension_numbers = #tpu.dot_dimension_numbers<[1], [1], [0], [0], [0, 0, 1, 0], [], []>, transpose_lhs_hint = false} : vector<2048x2048xbf16>, vector<576x2048xbf16>, vector<2048x576xf32> -> vector<2048x576xf32>
    %get3A_9 = arith.constant 0 : index
    %get3A_10 = arith.constant 0 : index
    %get3A_11 = vector.load %arg3[%get3A_9, %get3A_10] : memref<2048x1xf32, #tpu.memory_space<vmem>>, vector<2048x1xf32>
    %mul3A = vector.broadcast %get3A_11 : vector<2048x1xf32> to vector<2048x576xf32>
    %mul3A_12 = arith.mulf %dot_general3A_8, %mul3A : vector<2048x576xf32>
    %reduce_sum3A = arith.constant dense<0.000000e+00> : vector<576xf32>
    %reduce_sum3A_13 = vector.multi_reduction <add>, %mul3A_12, %reduce_sum3A [0] : vector<2048x576xf32> to vector<576xf32>
    %broadcast_in_dim3A = vector.shape_cast %reduce_sum3A_13 : vector<576xf32> to vector<1x576xf32>
    %reduce_sum3A_14 = arith.constant dense<0.000000e+00> : vector<576xf32>
    %reduce_sum3A_15 = vector.multi_reduction <add>, %dot_general3A_8, %reduce_sum3A_14 [0] : vector<2048x576xf32> to vector<576xf32>
    %broadcast_in_dim3A_16 = vector.shape_cast %reduce_sum3A_15 : vector<576xf32> to vector<1x576xf32>
    %mul3A_17 = arith.mulf %dot_general3A_8, %dot_general3A_8 : vector<2048x576xf32>
    %reduce_sum3A_18 = arith.constant dense<0.000000e+00> : vector<576xf32>
    %reduce_sum3A_19 = vector.multi_reduction <add>, %mul3A_17, %reduce_sum3A_18 [0] : vector<2048x576xf32> to vector<576xf32>
    %broadcast_in_dim3A_20 = vector.shape_cast %reduce_sum3A_19 : vector<576xf32> to vector<1x576xf32>
    %mul3A_21 = arith.constant 4.8828125E-4 : f32
    %mul3A_22 = vector.broadcast %mul3A_21 : f32 to vector<1x576xf32>
    %mul3A_23 = arith.mulf %broadcast_in_dim3A_16, %mul3A_22 : vector<1x576xf32>
    %mul3A_24 = arith.constant 4.8828125E-4 : f32
    %mul3A_25 = vector.broadcast %mul3A_24 : f32 to vector<1x576xf32>
    %mul3A_26 = arith.mulf %broadcast_in_dim3A_20, %mul3A_25 : vector<1x576xf32>
    %mul3A_27 = arith.mulf %mul3A_23, %mul3A_23 : vector<1x576xf32>
    %sub3A = arith.subf %mul3A_26, %mul3A_27 : vector<1x576xf32>
    %add3A = arith.constant 9.99999974E-6 : f32
    %add3A_28 = vector.broadcast %add3A : f32 to vector<1x576xf32>
    %add3A_29 = arith.addf %sub3A, %add3A_28 : vector<1x576xf32>
    %sqrt3A = math.sqrt %add3A_29 : vector<1x576xf32>
    %get3A_30 = arith.constant 0 : index
    %get3A_31 = memref.load %arg4[%get3A_30] : memref<2xf32, #tpu.memory_space<smem>>
    %get3A_32 = arith.constant 1 : index
    %get3A_33 = memref.load %arg4[%get3A_32] : memref<2xf32, #tpu.memory_space<smem>>
    %mul3A_34 = vector.broadcast %get3A_31 : f32 to vector<1x576xf32>
    %mul3A_35 = arith.mulf %mul3A_23, %mul3A_34 : vector<1x576xf32>
    %sub3A_36 = arith.subf %broadcast_in_dim3A, %mul3A_35 : vector<1x576xf32>
    %div3A = arith.divf %sub3A_36, %sqrt3A : vector<1x576xf32>
    %add3A_37 = vector.broadcast %get3A_33 : f32 to vector<1x576xf32>
    %add3A_38 = arith.addf %div3A, %add3A_37 : vector<1x576xf32>
    %reduce_sum3A_39 = vector.shape_cast %add3A_38 : vector<1x576xf32> to vector<1x1x576xf32>
    %reduce_sum3A_40 = arith.constant dense<0.000000e+00> : vector<1xf32>
    %reduce_sum3A_41 = vector.multi_reduction <add>, %reduce_sum3A_39, %reduce_sum3A_40 [1, 2] : vector<1x1x576xf32> to vector<1xf32>
    %reduce_sum3A_42 = vector.shape_cast %reduce_sum3A_41 : vector<1xf32> to vector<1x1x1xf32>
    %reduce_sum3A_43 = vector.extract %reduce_sum3A_42[0, 0, 0] : f32 from vector<1x1x1xf32>
    %div3A_44 = arith.constant 5.760000e+02 : f32
    %div3A_45 = arith.divf %reduce_sum3A_43, %div3A_44 : f32
    %sub3A_46 = vector.broadcast %div3A_45 : f32 to vector<1x576xf32>
    %sub3A_47 = arith.subf %add3A_38, %sub3A_46 : vector<1x576xf32>
    %integer_pow3A = arith.mulf %sub3A_47, %sub3A_47 : vector<1x576xf32>
    %reduce_sum3A_48 = vector.shape_cast %integer_pow3A : vector<1x576xf32> to vector<1x1x576xf32>
    %reduce_sum3A_49 = arith.constant dense<0.000000e+00> : vector<1xf32>
    %reduce_sum3A_50 = vector.multi_reduction <add>, %reduce_sum3A_48, %reduce_sum3A_49 [1, 2] : vector<1x1x576xf32> to vector<1xf32>
    %reduce_sum3A_51 = vector.shape_cast %reduce_sum3A_50 : vector<1xf32> to vector<1x1x1xf32>
    %reduce_sum3A_52 = vector.extract %reduce_sum3A_51[0, 0, 0] : f32 from vector<1x1x1xf32>
    %div3A_53 = arith.constant 5.760000e+02 : f32
    %div3A_54 = arith.divf %reduce_sum3A_52, %div3A_53 : f32
    %sqrt3A_55 = math.sqrt %div3A_54 : f32
    %sub3A_56 = vector.broadcast %div3A_45 : f32 to vector<1x576xf32>
    %sub3A_57 = arith.subf %add3A_38, %sub3A_56 : vector<1x576xf32>
    %add3A_58 = arith.constant 9.99999997E-7 : f32
    %add3A_59 = arith.addf %sqrt3A_55, %add3A_58 : f32
    %div3A_60 = vector.broadcast %add3A_59 : f32 to vector<1x576xf32>
    %div3A_61 = arith.divf %sub3A_57, %div3A_60 : vector<1x576xf32>
    %swap3A = arith.constant 0 : index
    %swap3A_62 = arith.constant 0 : index
    %swap3A_63 = arith.constant 0 : index
    %swap3A_64 = vector.load %arg5[%swap3A, %swap3A_62, %swap3A_63] : memref<1x1x576xf32, #tpu.memory_space<vmem>>, vector<1x1x576xf32>
    %swap3A_65 = vector.shape_cast %swap3A_64 : vector<1x1x576xf32> to vector<1x576xf32>
    %swap3A_66 = vector.shape_cast %div3A_61 : vector<1x576xf32> to vector<1x1x576xf32>
    tpu.vector_store %arg5[%swap3A, %swap3A_62, %swap3A_63], %swap3A_66 {strides = array<i32>} : memref<1x1x576xf32, #tpu.memory_space<vmem>>, vector<1x1x576xf32>,
    return
  }
  func.func @transform_0(%arg0: i32) -> (i32, i32, i32) {
    %c0_i32 = arith.constant 0 : i32
    %c0_i32_0 = arith.constant 0 : i32
    %c0_i32_1 = arith.constant 0 : i32
    return %arg0, %c0_i32, %c0_i32_0 : i32, i32, i32
  }
  func.func @transform_1(%arg0: i32) -> (i32, i32) {
    %c0_i32 = arith.constant 0 : i32
    %c0_i32_0 = arith.constant 0 : i32
    %c0_i32_1 = arith.constant 0 : i32
    return %c0_i32, %c0_i32_0 : i32, i32
  }
  func.func @transform_2(%arg0: i32) -> (i32, i32) {
    %c0_i32 = arith.constant 0 : i32
    %c0_i32_0 = arith.constant 0 : i32
    %c0_i32_1 = arith.constant 0 : i32
    return %c0_i32, %c0_i32_0 : i32, i32
  }
  func.func @transform_3(%arg0: i32) -> i32 {
    %c0_i32 = arith.constant 0 : i32
    %c0_i32_0 = arith.constant 0 : i32
    return %c0_i32 : i32
  }
  func.func @transform_4(%arg0: i32) -> (i32, i32, i32) {
    %c0_i32 = arith.constant 0 : i32
    %c0_i32_0 = arith.constant 0 : i32
    %c0_i32_1 = arith.constant 0 : i32
    return %arg0, %c0_i32, %c0_i32_0 : i32, i32, i32
  }
}

</mosaic_0001>

<sc_bundles>
// kernel: kernel.4.cloned.1.call-start
scs
__scs_entry_jumppad:
0x0: {  	(pc) =	sbr.rel $0x88, $3  }
0x1: {  	(tag) =	ssettag $0x0;
	lr =	simm.s32 $0x1  }
0x2: {  	[smem:$0x3F90] =	sst lr;
	_ =	strace $0xD0000000  }
0x3: {  	_ = 	snop  }
0x4: {  	_ = 	snop  }
0x5: {  	_ = 	snop  }
0x6: {  	_ = 	snop  }
0x7: {  	_ = 	snop  }
__scs_overlays_trampoline_lowered:
0x8: {  	[smem:$0x3F9F] =	sst s0  }
0x9: {  	[smem:$0x3FA0] =	sst s1  }
0xa: {  	[smem:$0x3FA1] =	sst s2  }
0xb: {  	[smem:$0x3FA2] =	sst s3  }
0xc: {  	[smem:$0x3FA3] =	sst s4  }
0xd: {  	[smem:$0x3FA4] =	sst s5  }
0xe: {  	[smem:$0x3FA5] =	sst s6  }
0xf: {  	[smem:$0x3FA6] =	sst s7  }
0x10: {  	[smem:$0x3FA7] =	sst s8  }
0x11: {  	[smem:$0x3FA8] =	sst s9;
	s0 =	simm.s32 @!p0 $0x0  }
0x12: {  	s1 =	sld [smem:$0x3F8E];
	s0 =	simm.s32 @p0 $0x1  }
0x13: {  	[smem:$0x3FA9] =	sst s0;
	s0 =	simm.s32 @!p1 $0x0  }
0x14: {  	s2 =	sld [smem:$0x3F8D];
	s0 =	simm.s32 @p1 $0x1  }
0x15: {  	[smem:$0x3FAA] =	sst s0;
	s0 =	simm.s32 @!p2 $0x0  }
0x16: {  	s3 =	sld [smem:$0x3FDB];
	s0 =	simm.s32 @p2 $0x1  }
0x17: {  	s4 =	simm.s32 $0x1BF5;
	[smem:$0x3FAC] =	sst s0  }
0x18: {  	s0 =	sld [smem:$0x3F8F];
	_ =	swait.ge [sflag:s4], $0x0  }
0x19: {  	s7 =	sld [smem:$0x3F90]  }
0x1a: {  	s8 =	sadd.s32 $0xFFFFE003, lr  }
0x1b: {  	s9 =	sadd.s32 $0xFFFFFEF7, lr;
	s5 =	simm.s32 $0xFFFFFFFF;
	p2 =	slt.u32 s8, $0xFFFFF086  }
0x1c: {  	p1 =	slt.u32 s9, $0xF7A;
	s5 =	simm.s32 @!p2 $0x0  }
0x1d: {  	s5 =	simm.s32 @p1 $0x1;
	p0 =	seq.s32 s7, s2  }
0x1e: {  	s7 =	smul.u32 @!p0 $0xF7A, s2;
	p2 =	seq.s32 @!p0 s5, $0x0  }
0x1f: {  	s9 =	smul.u32 $0xF7A, s1;
	s8 =	simm.s32 @!p0 $0x1BF5;
	p2 =	por !p2, p0  }
0x20: {  	[sflag:s8] =	ssyncset.s32 @!p0 $0xFFFFF086;
	s6 =	sadd.s32 @!p0 s3, s7;
	s7 =	simm.s32 @!p0 $0x108  }
0x21: {  	s3 =	sadd.s32 s3, s9;
	s6 =	sadd.s32 @!p0 $0x88, s6;
	s7 =	simm.s32 @p2 $0x1082  }
0x22: {  	[simem:s7], [sflag:s8] =	dma.local @!p0 [hbm:s6], $0xF7A  }
0x23: {  	s9 =	sor.u32 $0xD0000000, s2;
	s6 =	simm.s32 $0x108;
	_ =	swait.ge @!p0 [sflag:s8], $0x0  }
0x24: {  	s3 =	sadd.s32 $0x88, s3;
	s6 =	simm.s32 @!p1 $0x1082;
	[sflag:s4] =	ssyncset.s32 $0xFFFFF086  }
0x25: {  	[simem:s6], [sflag:s4] =	dma.local [hbm:s3], $0xF7A  }
0x26: {  	[smem:$0x3F90] =	sst s1;
	(tag) =	ssettag s2;
	_ =	strace s9  }
0x27: {  	s1 =	sld [smem:$0x3FA0]  }
0x28: {  	s2 =	sld [smem:$0x3FA1]  }
0x29: {  	s4 =	sld [smem:$0x3FA3]  }
0x2a: {  	p0 =	seq.s32 s5, $0x0;
	s5 =	sld [smem:$0x3FA4]  }
0x2b: {  	s6 =	sld [smem:$0x3FA5]  }
0x2c: {  	s7 =	sld [smem:$0x3FA6]  }
0x2d: {  	s3 =	simm.s32 $0x108;
	s8 =	sld [smem:$0x3FA7]  }
0x2e: {  	s3 =	simm.s32 @!p0 $0x1082;
	s9 =	sld [smem:$0x3FA8]  }
0x2f: {  	lr =	sadd.s32 s0, s3;
	s0 =	sld [smem:$0x3F9F]  }
0x30: {  	s3 =	sld [smem:$0x3FA2]  }
0x31: {  	[smem:$0x3FAB] =	sst s10  }
0x32: {  	s10 =	sld [smem:$0x3FA9];
	_ =	sdelay $0x3  }
0x33: {  	p0 =	seq.s32 s10, $0x1;
	s10 =	sld [smem:$0x3FAB];
	_ =	sdelay $0x3  }
0x34: {  	[smem:$0x3FAB] =	sst s10  }
0x35: {  	s10 =	sld [smem:$0x3FAA];
	_ =	sdelay $0x3  }
0x36: {  	p1 =	seq.s32 s10, $0x1;
	s10 =	sld [smem:$0x3FAB];
	_ =	sdelay $0x3  }
0x37: {  	[smem:$0x3FAB] =	sst s10  }
0x38: {  	s10 =	sld [smem:$0x3FAC]  }
0x39: {  	_ = 	snop;
	(pc) =	sbr.ind lr, $3  }
0x3a: {  	_ = 	snop  }
0x3b: {  	_ = 	snop  }
0x3c: {  	p2 =	seq.s32 s10, $0x1;
	s10 =	sld [smem:$0x3FAB]  }
0x3d: {  	_ =	shalt  }
0x3e: {  	_ =	shalt  }
0x3f: {  	_ =	shalt  }
0x40: {  	_ =	shalt  }
0x41: {  	_ =	shalt  }
0x42: {  	_ =	shalt  }
0x43: {  	_ =	shalt  }
0x44: {  	_ =	shalt  }
0x45: {  	_ =	shalt  }
0x46: {  	_ =	shalt  }
0x47: {  	_ =	shalt  }
0x48: {  	_ =	shalt  }
0x49: {  	_ =	shalt  }
0x4a: {  	_ =	shalt  }
0x4b: {  	_ =	shalt  }
0x4c: {  	_ =	shalt  }
0x4d: {  	_ =	shalt  }
0x4e: {  	_ =	shalt  }
0x4f: {  	_ =	shalt  }
0x50: {  	_ =	shalt  }
0x51: {  	_ =	shalt  }
0x52: {  	_ =	shalt  }
0x53: {  	_ =	shalt  }
0x54: {  	_ =	shalt  }
0x55: {  	_ =	shalt  }
0x56: {  	_ =	shalt  }
0x57: {  	_ =	shalt  }
0x58: {  	_ =	shalt  }
0x59: {  	_ =	shalt  }
0x5a: {  	_ =	shalt  }
0x5b: {  	_ =	shalt  }
0x5c: {  	_ =	shalt  }
0x5d: {  	_ =	shalt  }
0x5e: {  	_ =	shalt  }
0x5f: {  	_ =	shalt  }
0x60: {  	_ =	shalt  }
0x61: {  	_ =	shalt  }
0x62: {  	_ =	shalt  }
0x63: {  	_ =	shalt  }
0x64: {  	_ =	shalt  }
0x65: {  	_ =	shalt  }
0x66: {  	_ =	shalt  }
0x67: {  	_ =	shalt  }
0x68: {  	_ =	shalt  }
0x69: {  	_ =	shalt  }
0x6a: {  	_ =	shalt  }
0x6b: {  	_ =	shalt  }
0x6c: {  	_ =	shalt  }
0x6d: {  	_ =	shalt  }
0x6e: {  	_ =	shalt  }
0x6f: {  	_ =	shalt  }
0x70: {  	_ =	shalt  }
0x71: {  	_ =	shalt  }
0x72: {  	_ =	shalt  }
0x73: {  	_ =	shalt  }
0x74: {  	_ =	shalt  }
0x75: {  	_ =	shalt  }
0x76: {  	_ =	shalt  }
0x77: {  	_ =	shalt  }
0x78: {  	_ =	shalt  }
0x79: {  	_ =	shalt  }
0x7a: {  	_ =	shalt  }
0x7b: {  	_ =	shalt  }
0x7c: {  	_ =	shalt  }
0x7d: {  	_ =	shalt  }
0x7e: {  	_ =	shalt  }
0x7f: {  	_ =	shalt  }
0x80: {  	_ =	shalt  }
0x81: {  	_ =	shalt  }
0x82: {  	_ =	shalt  }
0x83: {  	_ =	shalt  }
0x84: {  	_ =	shalt  }
0x85: {  	_ =	shalt  }
0x86: {  	_ =	shalt  }
0x87: {  	_ =	shalt  }
.Lfunc_end0:
.L_simem_size_0:
called_computation_lowered:
.L_overlay_start_0:
0x88: {  	s2 =	sld [smem:$0x3FD9]  }
0x89: {  	s3 =	sld [smem:$0x3FFE];
	_ =	sdelay $0x1  }
0x8a: {  	s1 =	srdreg.scid  }
0x8b: {  	s0 =	sand.u32 $0x1, s1  }
0x8c: {  	s17 =	sshll.u32 s0, $0xA;
	s2 =	sadd.s32 s3, s2  }
0x8d: {  	s2 =	sadd.s32 s2, s17  }
0x8e: {  	[smem:$0x3FB7] =	sst s2  }
0x8f: {  	_ = 	snop  }
0x90: {  	s2 =	sld [smem:$0x3FC8]  }
0x91: {  	s18 =	sld [smem:$0x3FD0];
	(tm) =	ssettm $0x1  }
0x92: {  	s4 =	sld [smem:$0x3FFB];
	_ =	sdelay $0x3  }
0x93: {  	_ =	strace s4  }
0x94: {  	s4 =	sld [smem:$0x3FFC];
	_ =	sdelay $0x3  }
0x95: {  	_ =	strace s4  }
0x96: {  	s4 =	sld [smem:$0x3FFD];
	_ =	sdelay $0x3  }
0x97: {  	_ =	strace s4  }
0x98: {  	_ =	strace $0x8FFFFFFF  }
0x99: {  	s19 =	sld [smem:$0x3FDB];
	_ =	sdelay $0x1  }
0x9a: {  	s5 =	simm.s32 $_scs_section_size  }
0x9b: {  	s6 =	simm.s32 $_size__tile_overlayer_lowered;
	s7 =	simm.s32 $_tile_overlayer_lowered  }
0x9c: {  	s22 =	simm.s32 $0x1BFF;
	s21 =	sshll.u32 s7, $0x1;
	s4 =	sadd.s32 s5, s19  }
0x9d: {  	s8 =	simm.s32 $0x0;
	s20 =	sshll.u32 s6, $0x1;
	s6 =	sadd.s32 s21, s4  }
0x9e: {  	[timem:s8], [sflag:s22] =	dma.local [hbm:s6], s20  }
0x9f: {  	_ =	swait.ge [sflag:s22], s20  }
0xa0: {  	s5 =	ssub.s32 $0x0, s20;
	[sflag:s22] =	ssyncset.done $0x0  }
0xa1: {  	[sflag:s22] =	ssyncadd.s32 s5;
	_ =	sdelay $0x1  }
0xa2: {  	s23 =	simm.s32 $0x1B8B  }
0xa3: {  	_ =	swait.ge [sflag:s23], $0x1  }
0xa4: {  	[sflag:s23] =	ssyncset.done $0x0  }
0xa5: {  	s25 =	simm.s32 $0x1B8E;
	s24 =	sld [smem:$0x3FFE];
	[sflag:s23] =	ssyncadd.s32 $0xFFFFFFFF  }
0xa6: {  	s26 =	simm.s32 $execute0_lowered;
	[smem:$0x3FD2] =	sst s25  }
0xa7: {  	s6 =	sshll.u32 s26, $0x1;
	_ =	strace $0x80000046;
	[dreg:$0x1] =	wrdreg $0xFFFFFFFF  }
0xa8: {  	s28 =	simm.s32 $_size_execute0_lowered;
	s4 =	sadd.s32 s4, s6;
	[dreg:$0x0] =	wrdreg $0x0  }
0xa9: {  	s6 =	sshll.u32 s28, $0x1;
	[dreg:$0x2] =	wrdreg s4  }
0xaa: {  	[dreg:$0x3] =	wrdreg s6  }
0xab: {  	[dreg:$0x4] =	wrdreg $0xC0  }
0xac: {  	_ =	task [dreg:s8], $0x5FFFF  }
0xad: {  	[dreg:$0x1] =	wrdreg $0xFFFFFFFF  }
0xae: {  	[dreg:$0x0] =	wrdreg $0x60  }
0xaf: {  	[dreg:$0x2] =	wrdreg s24  }
0xb0: {  	[dreg:$0x3] =	wrdreg s2  }
0xb1: {  	[dreg:$0x4] =	wrdreg s18  }
0xb2: {  	[dreg:$0x5] =	wrdreg $0x4000  }
0xb3: {  	[dreg:$0x6] =	wrdreg $0x9  }
0xb4: {  	_ =	task.clear_ibuf [dreg:s8], $0x7FFFF;
	_ =	strace $0x90000046  }
0xb5: {  	s29 =	simm.s32 $0x9;
	_ =	strace $0x80000048  }
0xb6: {  	_ =	swait.ge [sflag:s29], $0x1  }
0xb7: {  	[sflag:s29] =	ssyncadd.s32 $0xFFFFFFFF  }
0xb8: {  	_ =	strace $0x90000048  }
0xb9: {  	_ =	sfence  }
0xba: {  	s30 =	sld [smem:$0x0];
	_ =	sdelay $0x2  }
0xbb: {  	s31 =	sshll.u32 s1, $0xD;
	s1 =	sshrl.u32 s1, $0x2  }
0xbc: {  	s3 =	sand.u32 $0x4000, s31;
	s1 =	sadd.s32 s1, s30  }
0xbd: {  	s0 =	sor.u32 s3, s0;
	s1 =	sshll.u32 s1, $0x11  }
0xbe: {  	s0 =	sor.u32 s1, s0  }
0xbf: {  	s0 =	sadd.s32 $0x8F2B, s0  }
0xc0: {  	[sflag:s0] =	ssyncadd.remote.s32 $0x1  }
0xc1: {  	_ =	sfence.sel $0xFFFF  }
0xc2: {  	[dreg:$0x0] =	wrdreg $0xFFFFFFFF;
	(pc) =	sbr.abs _section_cstart, $3  }
0xc3: {  	[dreg:$0x1] =	wrdreg $0xFFFFFFFF  }
0xc4: {  	_ =	task.clear_ibuf [dreg:s8], $0x2FFFF;
	_ =	strace $0x9FFFFFFF  }
0xc5: {  	(tm) =	ssettm $0x7FFFFFFF  }
tec
execute0_lowered:
.L_overlay_start_1:
0x0: {  	(tag) =	ssettag $0x1  }
0x1: {  	s5 =	rddreg [dreg:$0x0]  }
0x2: {  	s1 =	rddreg [dreg:$0x1]  }
0x3: {  	s15 =	rddreg [dreg:$0x2]  }
0x4: {  	s2 =	srdreg.scid;
	s0 =	stileid.u32  }
0x5: {  	v0 =	vimm.s32 $0xEFCDAB89;
	s3 =	rddreg [dreg:$0x3];
	v2 =	vimm.s32 $0xDCFE98BA;
	s4 =	simm.s32 $0x0;
	s20 =	simm.s32 $0xC80  }
0x6: {  	v4 =	vimm.s32 $0x54761032;
	v5 =	vimm.s32 $0xBA98FEDC;
	v6 =	vimm.s32 $0x32107654;
	s21 =	simm.s32 $0x0;
	s17 =	sand.u32 $0x1, s2;
	s2 =	rddreg [dreg:$0x4]  }
0x7: {  	v7 =	vimm.s32 $0xFEDCBA98;
	v8 =	vimm.s32 $0x76543210;
	s6 =	smul.u32 $0x360, s0;
	v1 =	vunpack.c.l.s4.s8 v0;
	[smem:$0x7FF] =	sst s4;
	s30 =	sshll.u32 s0, $0x7  }
0x8: {  	v0 =	vimm.s32 $0x67452301;
	v2 =	vunpack.c.l.s4.s8 v2;
	p1 =	slt.u32 s0, $0x8;
	v4 =	vunpack.c.l.s4.s8 v4;
	s31 =	sshll.u32 s0, $0x3;
	s9 =	sadd.s32 $0x200, s1  }
0x9: {  	v5 =	vunpack.c.l.s4.s8 v5;
	v6 =	vunpack.c.l.s4.s8 v6;
	v7 =	vunpack.c.l.s4.s8 v7;
	s10 =	sadd.s32 $0x300, s1;
	s11 =	sadd.s32 $0x400, s1;
	s12 =	sadd.s32 $0x500, s1  }
0xa: {  	v8 =	vunpack.c.l.s4.s8 v8;
	s13 =	sadd.s32 $0x600, s1;
	s14 =	sadd.s32 $0x700, s1;
	s18 =	sshll.u32 s0, $0xB;
	v3 =	vunpack.c.l.s4.s8 v0;
	v2 =	vunpack.c.0.s8.s32 v2  }
0xb: {  	s7 =	ssub.s32 $0x2, s17;
	_ =	strace $0x80000047;
	p0 =	seq.s32 s17, $0x0;
	v4 =	vunpack.c.0.s8.s32 v4;
	v5 =	vunpack.c.0.s8.s32 v5;
	v6 =	vunpack.c.0.s8.s32 v6  }
0xc: {  	s19 =	sor.u32 s0, s17;
	s15 =	sadd.s32 s15, s18;
	s18 =	simm.s32 $0x380;
	v1 =	vunpack.c.0.s8.s32 v1;
	v7 =	vunpack.c.0.s8.s32 v7;
	v3 =	vunpack.c.0.s8.s32 v3  }
.Ltmp0:
0xd: {  	s8 =	sshrl.u32 s7, $0x1;
	v0 =	vmov s6;
	p0 =	por !p0, !p1;
	v4 =	vcombine.low v4, v2;
	v5 =	vcombine.low v6, v5;
	(pc) =	sbr.rel .LBB2_1-.Ltmp0, $4  }
0xe: {  	s6 =	sshrl.u32 s6, $0x3;
	p1 =	sne.s32 s17, $0x0;
	p0 =	por !p0, !p0;
	v6 =	vunpack.c.0.s8.s32 v8;
	v7 =	vand.u32 $0xF, v7;
	v3 =	vcombine.low v3, v1  }
0xf: {  	s17 =	simm.s32 $0x2;
	p2 =	sne.s32 s19, $0x0;
	s19 =	simm.s32 $0x480;
	v8 =	vimm.s32 $0x0;
	vm0 =	vmmov @p0 $0xffff;
	v1 =	vlaneseq.u32  }
0x10: {  	s16 =	ssub.s32 s7, s8;
	s5 =	sadd.s32 s5, s6;
	s6 =	sadd.s32 s30, s3;
	v2 =	vand.u32 $0xF, v3;
	v3 =	vand.u32 $0xF, v4;
	v4 =	vand.u32 $0xF, v5  }
0x11: {  	s7 =	sadd.s32 s31, s3;
	s8 =	sadd.s32 $0x100, s1;
	s16 =	smax.u32 s16, $0x1;
	v5 =	vcombine.low v7, v6;
	v6 =	vimm.f32 $-Inf;
	v7 =	vmul.u32 $0x80, v1  }
.LBB2_7:
.Ltmp1:
0x12: {  	(pc) =	sbr.rel @!p2 .LBB2_8-.Ltmp1, $2  }
0x13: {  	_ =	sdelay $0x1  }
0x14: {  	[bflag:$0x0] =	sbarrier.arrive $0xFFFF;
	_ =	sdelay $0x1  }
.LBB2_11:
0x15: {  	[bflag:$0x0] =	sbarrier.arrive $0xFFFF;
	s22 =	simm.s32 @p0 $0xD00  }
0x16: {  	[tilespmem:s22], [sflag:$0x2] =	stream.linear.gather @p0 [spmem:s7], $0x8, $0x38;
	[tilespmem:$0x4D80] =	vst v63  }
0x17: {  	s22 =	simm.s32 @p0 $0x2  }
0x18: {  	_ =	swait.ge @p0 [sflag:s22], $0x8  }
0x19: {  	[sflag:s22] =	ssyncset.done @p0 $0x0  }
0x1a: {  	[sflag:s22] =	ssyncadd.s32 @p0 $0xFFFFFFF8  }
0x1b: {  	v9 =	vld.msk @p0 [tilespmem:$0xD00], $0xff;
	_ =	sdelay $0x4  }
0x1c: {  	v10 =	vshll.u32 @p0 v9, $0x4  }
0x1d: {  	v11 =	vlaneseq.u32 @p0;
	v9 =	vand.u32 @p0 $0x7, v9;
	v10 =	vand.u32 @p0 $0xFFFFFF80, v10  }
0x1e: {  	v9 =	vor.u32 @p0 v9, v10;
	v10 =	vand.u32 @p0 $0x7, v11;
	v11 =	vshrl.u32 @p0 v11, $0x3  }
0x1f: {  	v9 =	vperm.xlane @p0 v9, v10;
	v10 =	vmul.u32 @p0 $0x8, v11;
	_ =	sdelay $0x1  }
0x20: {  	v9 =	vadd.s32 @p0 v10, v9;
	_ =	sdelay $0x3  }
0x21: {  	s23 =	simm.s32 @p0 $0x0;
	s24 =	simm.s32 @p0 $0xD80  }
0x22: {  	[tilespmem:s24], [sflag:$0x1] =	stream.indirect_vreg.gather @p0 [hbm4b:s1+s23], $0x80, v9, vm0, $0xb8;
	[tilespmem:$0x4D80] =	vst v63  }
0x23: {  	s25 =	simm.s32 @p0 $0x1580  }
0x24: {  	[tilespmem:s25], [sflag:$0x1] =	stream.indirect_vreg.gather @p0 [hbm4b:s8+s23], $0x80, v9, vm0, $0xb8;
	[tilespmem:$0x4D80] =	vst v63  }
0x25: {  	s25 =	simm.s32 @p0 $0x1D80  }
0x26: {  	[tilespmem:s25], [sflag:$0x1] =	stream.indirect_vreg.gather @p0 [hbm4b:s9+s23], $0x80, v9, vm0, $0xb8;
	[tilespmem:$0x4D80] =	vst v63  }
0x27: {  	s25 =	simm.s32 @p0 $0x2580  }
0x28: {  	[tilespmem:s25], [sflag:$0x1] =	stream.indirect_vreg.gather @p0 [hbm4b:s10+s23], $0x80, v9, vm0, $0xb8;
	[tilespmem:$0x4D80] =	vst v63  }
0x29: {  	s25 =	simm.s32 @p0 $0x2D80  }
0x2a: {  	[tilespmem:s25], [sflag:$0x1] =	stream.indirect_vreg.gather @p0 [hbm4b:s11+s23], $0x80, v9, vm0, $0xb8;
	[tilespmem:$0x4D80] =	vst v63  }
0x2b: {  	s25 =	simm.s32 @p0 $0x3580  }
0x2c: {  	[tilespmem:s25], [sflag:$0x1] =	stream.indirect_vreg.gather @p0 [hbm4b:s12+s23], $0x80, v9, vm0, $0xb8;
	[tilespmem:$0x4D80] =	vst v63  }
0x2d: {  	s25 =	simm.s32 @p0 $0x3D80  }
0x2e: {  	[tilespmem:s25], [sflag:$0x1] =	stream.indirect_vreg.gather @p0 [hbm4b:s13+s23], $0x80, v9, vm0, $0xb8;
	[tilespmem:$0x4D80] =	vst v63  }
0x2f: {  	s25 =	simm.s32 @p0 $0x4580  }
0x30: {  	[tilespmem:s25], [sflag:$0x1] =	stream.indirect_vreg.gather @p0 [hbm4b:s14+s23], $0x80, v9, vm0, $0xb8;
	[tilespmem:$0x4D80] =	vst v63  }
0x31: {  	s25 =	simm.s32 @p0 $0x1  }
0x32: {  	s21 =	sadd.s32 $0x1, s21;
	_ =	swait.ge @p0 [sflag:s25], $0x4000  }
0x33: {  	p3 =	sne.s32 s21, s16;
	[sflag:s25] =	ssyncset.done @p0 $0x0  }
.Ltmp2:
0x34: {  	[sflag:s25] =	ssyncadd.s32 @p0 $0xFFFFC000;
	(pc) =	sbr.rel @!p3 .LBB2_12-.Ltmp2, $4  }
0x35: {  	[hbm4b:s15+s23] =	stream.linear.scatter @p0 [tilespmem:s24], [sflag:$0x2], $0x4000, $0x38;
	[tilespmem:$0x4D80] =	vst v63  }
0x36: {  	_ =	swait.ge @p0 [sflag:s22], $0x4000  }
0x37: {  	[sflag:s22] =	ssyncset.done @p0 $0x0  }
0x38: {  	[sflag:s22] =	ssyncadd.s32 @p0 $0xFFFFC000  }
.LBB2_1:
.Ltmp3:
0x39: {  	(pc) =	sbr.rel @p1 .LBB2_7-.Ltmp3, $1  }
0x3a: {  	_ =	sdelay $0x3  }
0x3b: {  	s22 =	simm.s32 $0x0  }
0x3c: {  	[tilespmem:s22], [sflag:$0x2] =	stream.linear.gather [hbm4b:s5+s22], $0x360, $0x38;
	[tilespmem:$0x4D80] =	vst v63  }
0x3d: {  	_ =	swait.ge [sflag:s17], $0x360  }
0x3e: {  	[sflag:s17] =	ssyncset.done $0x0  }
0x3f: {  	s23 =	simm.s32 $0x0;
	[sflag:s17] =	ssyncadd.s32 $0xFFFFFCA0  }
.LBB2_3:
0x40: {  	v10 =	vld [tilespmem:s22+$0x0];
	_ =	sdelay $0x3  }
0x41: {  	v11 =	vimm.f32 $-Inf  }
0x42: {  	v9 =	vimm.s32 $0x0;
	s24 =	simm.s32 $0x10;
	v12 =	vor.u32 s22, v1;
	s25 =	simm.s32 $0x10;
	vm1 =	vgt.f32 v10, v11  }
.LBB2_4:
0x43: {  	p3 =	sne.s32 s24, $0x350;
	v11 =	vsel vm1, v10, v11;
	v10 =	vld [tilespmem:s25+$0x0];
	v9 =	vsel vm1, v12, v9;
	s26 =	smov.u32 s24;
	s24 =	sadd.s32 $0x10, s24  }
.Ltmp4:
0x44: {  	(pc) =	sbr.rel @p3 .LBB2_4-.Ltmp4, $2  }
0x45: {  	_ =	sdelay $0x2  }
0x46: {  	s25 =	sadd.s32 $0x10, s25;
	v12 =	vor.u32 s26, v1;
	vm1 =	vgt.f32 v10, v11  }
0x47: {  	v10 =	vsel vm1, v10, v11  }
0x48: {  	v11 =	vperm.xlane v10, v2;
	_ =	sdelay $0x1  }
0x49: {  	v11 =	vmax.f32 v10, v11  }
0x4a: {  	v13 =	vperm.xlane v11, v3;
	_ =	sdelay $0x1  }
0x4b: {  	v11 =	vmax.f32 v11, v13  }
0x4c: {  	v13 =	vperm.xlane v11, v4;
	_ =	sdelay $0x1  }
0x4d: {  	v11 =	vmax.f32 v11, v13  }
0x4e: {  	v13 =	vperm.xlane v11, v5;
	_ =	sdelay $0x1  }
0x4f: {  	v11 =	vmax.f32 v11, v13  }
0x50: {  	v9 =	vsel vm1, v12, v9;
	vm1 =	veq.f32 v10, v11  }
0x51: {  	v9 =	vnsel vm1, $0x360, v9  }
0x52: {  	v10 =	vperm.xlane v9, v2;
	_ =	sdelay $0x1  }
0x53: {  	vm1 =	vlt.s32 v9, v10  }
0x54: {  	v9 =	vsel vm1, v9, v10  }
0x55: {  	v10 =	vperm.xlane v9, v3;
	_ =	sdelay $0x1  }
0x56: {  	vm1 =	vlt.s32 v9, v10  }
0x57: {  	v9 =	vsel vm1, v9, v10  }
0x58: {  	v10 =	vperm.xlane v9, v4;
	_ =	sdelay $0x1  }
0x59: {  	vm1 =	vlt.s32 v9, v10  }
0x5a: {  	v9 =	vsel vm1, v9, v10  }
0x5b: {  	v10 =	vperm.xlane v9, v5  }
0x5c: {  	v62 =	vmov s23  }
0x5d: {  	s23 =	sadd.s32 $0x1, s23;
	v63 =	vor.u32 $0x40, v62;
	vm1 =	vlt.s32 v9, v10  }
0x5e: {  	p3 =	sne.s32 s23, $0x40;
	v9 =	vsel vm1, v9, v10  }
.Ltmp5:
0x5f: {  	_ = 	snop;
	(pc) =	sbr.rel @p3 .LBB2_3-.Ltmp5, $4  }
0x60: {  	_ = 	snop  }
0x61: {  	[tilespmem:v62+s18+$0x0] =	vst.idx.msk $0x1, v11;
	v10 =	vadd.s32 v0, v9  }
0x62: {  	[tilespmem:v63+s18+$0x0] =	vst.idx.msk $0x1, v10  }
0x63: {  	[tilespmem:v9+s4+$0x0] =	vst.idx.msk $0x1, v6  }
.Ltmp6:
0x64: {  	(pc) =	sbr.rel .LBB2_7-.Ltmp6, $4  }
0x65: {  	[spmem:s6] =	stream.linear.scatter [tilespmem:s18], [sflag:$0x2], $0x80, $0x38;
	[tilespmem:$0x4D80] =	vst v63  }
0x66: {  	_ =	swait.ge [sflag:s17], $0x80  }
0x67: {  	[sflag:s17] =	ssyncset.done $0x0  }
0x68: {  	[sflag:s17] =	ssyncadd.s32 $0xFFFFFF80  }
.LBB2_8:
0x69: {  	[tilespmem:s19], [sflag:$0x2] =	stream.linear.gather [spmem:s3], $0x800, $0x38;
	[tilespmem:$0x4D80] =	vst v63  }
0x6a: {  	_ =	swait.ge [sflag:s17], $0x800  }
0x6b: {  	[sflag:s17] =	ssyncset.done $0x0  }
0x6c: {  	[sflag:s17] =	ssyncadd.s32 $0xFFFFF800  }
0x6d: {  	v9 =	vld.idx.msk [tilespmem:v7+s19+$0x0], $0xffff;
	_ =	sdelay $0x4  }
0x6e: {  	v10 =	vperm.xlane v9, v2;
	_ =	sdelay $0x1  }
0x6f: {  	v10 =	vmax.f32 v9, v10  }
0x70: {  	v11 =	vperm.xlane v10, v3;
	_ =	sdelay $0x1  }
0x71: {  	v10 =	vmax.f32 v10, v11  }
0x72: {  	v11 =	vperm.xlane v10, v4;
	_ =	sdelay $0x1  }
0x73: {  	v10 =	vmax.f32 v10, v11  }
0x74: {  	v11 =	vperm.xlane v10, v5;
	_ =	sdelay $0x1  }
0x75: {  	v10 =	vmax.f32 v10, v11  }
0x76: {  	vm1 =	veq.f32 v9, v10  }
0x77: {  	v10 =	vnsel vm1, $0x10, v1  }
0x78: {  	v11 =	vperm.xlane v10, v2;
	_ =	sdelay $0x1  }
0x79: {  	vm1 =	vlt.s32 v10, v11  }
0x7a: {  	v10 =	vsel vm1, v10, v11  }
0x7b: {  	v11 =	vperm.xlane v10, v3;
	_ =	sdelay $0x1  }
0x7c: {  	vm1 =	vlt.s32 v10, v11  }
0x7d: {  	v10 =	vsel vm1, v10, v11  }
0x7e: {  	v11 =	vperm.xlane v10, v4;
	_ =	sdelay $0x1  }
0x7f: {  	vm1 =	vlt.s32 v10, v11  }
0x80: {  	v11 =	vsel vm1, v10, v11  }
0x81: {  	v12 =	vperm.xlane v11, v5;
	_ =	sdelay $0x1  }
0x82: {  	vm1 =	vlt.s32 v11, v12  }
0x83: {  	v10 =	vimm.s32 $0x0;
	v11 =	vsel vm1, v11, v12  }
0x84: {  	v12 =	vperm.xlane v10, v11;
	_ =	sdelay $0x1  }
0x85: {  	v13 =	vadd.s32 $0x40, v12  }
0x86: {  	v15 =	vshll.u32 v11, $0x7;
	v14 =	vand.u32 $0xFFFFFF80, v13  }
0x87: {  	v13 =	vand.u32 $0x7F, v13;
	v14 =	vadd.s32 v14, v15  }
0x88: {  	v13 =	vor.u32 v13, v14  }
0x89: {  	v12 =	vadd.s32 $0x1, v12  }
0x8a: {  	vm2 =	vgt.s32 v12, $0x3F  }
0x8b: {  	v12 =	vsel vm2, $0x3F, v12  }
0x8c: {  	s22 =	simm.s32 $0x0;
	v14 =	vand.u32 $0xFFFFFF80, v12  }
0x8d: {  	v16 =	vmov s22;
	v12 =	vand.u32 $0x7F, v12;
	v14 =	vadd.s32 v14, v15;
	v13 =	vld.idx.msk [tilespmem:v13+s19+$0x0], $0xffff  }
0x8e: {  	v12 =	vor.u32 v12, v14;
	_ =	sdelay $0x3  }
0x8f: {  	[tilespmem:v16+s20+$0x0] =	vst.idx.msk $0x1, v13  }
0x90: {  	v12 =	vld.idx.msk [tilespmem:v12+s19+$0x0], $0xffff;
	_ =	sdelay $0x3  }
0x91: {  	vm1 =	veq.s32 v11, v1  }
0x92: {  	s22 =	simm.s32 $0x1;
	v11 =	vsel vm2, $0xFF800000, v12;
	v12 =	vsel vm1, $0x1, v8  }
.LBB2_9:
0x93: {  	p3 =	sne.s32 s22, $0x3F;
	v9 =	vsel vm1, v11, v9;
	v10 =	vadd.s32 v12, v10;
	s23 =	smov.u32 s22;
	s22 =	sadd.s32 $0x1, s22  }
0x94: {  	v11 =	vperm.xlane v9, v2;
	_ =	sdelay $0x1  }
0x95: {  	v11 =	vmax.f32 v9, v11  }
0x96: {  	v12 =	vperm.xlane v11, v3;
	_ =	sdelay $0x1  }
0x97: {  	v11 =	vmax.f32 v11, v12  }
0x98: {  	v12 =	vperm.xlane v11, v4;
	_ =	sdelay $0x1  }
0x99: {  	v11 =	vmax.f32 v11, v12  }
0x9a: {  	v12 =	vperm.xlane v11, v5;
	_ =	sdelay $0x1  }
0x9b: {  	v11 =	vmax.f32 v11, v12  }
0x9c: {  	vm1 =	veq.f32 v9, v11  }
0x9d: {  	v11 =	vnsel vm1, $0x10, v1  }
0x9e: {  	v12 =	vperm.xlane v11, v2;
	_ =	sdelay $0x1  }
0x9f: {  	vm1 =	vlt.s32 v11, v12  }
0xa0: {  	v11 =	vsel vm1, v11, v12  }
0xa1: {  	v12 =	vperm.xlane v11, v3;
	_ =	sdelay $0x1  }
0xa2: {  	vm1 =	vlt.s32 v11, v12  }
0xa3: {  	v11 =	vsel vm1, v11, v12  }
0xa4: {  	v12 =	vperm.xlane v11, v4;
	_ =	sdelay $0x1  }
0xa5: {  	vm1 =	vlt.s32 v11, v12  }
0xa6: {  	v11 =	vsel vm1, v11, v12  }
0xa7: {  	v12 =	vperm.xlane v11, v5;
	_ =	sdelay $0x1  }
0xa8: {  	vm1 =	vlt.s32 v11, v12  }
0xa9: {  	v11 =	vsel vm1, v11, v12  }
0xaa: {  	v12 =	vperm.xlane v10, v11;
	_ =	sdelay $0x1  }
0xab: {  	v13 =	vadd.s32 $0x40, v12;
	v12 =	vadd.s32 $0x1, v12  }
0xac: {  	v15 =	vshll.u32 v11, $0x7;
	v14 =	vand.u32 $0xFFFFFF80, v13  }
0xad: {  	v13 =	vand.u32 $0x7F, v13;
	v14 =	vadd.s32 v14, v15  }
0xae: {  	v13 =	vor.u32 v13, v14;
	_ =	sdelay $0x2  }
0xaf: {  	vm2 =	vgt.s32 v12, $0x3F  }
0xb0: {  	v12 =	vsel vm2, $0x3F, v12  }
0xb1: {  	v14 =	vand.u32 $0xFFFFFF80, v12;
	v13 =	vld.idx.msk [tilespmem:v13+s19+$0x0], $0xffff  }
0xb2: {  	v16 =	vmov s23;
	v12 =	vand.u32 $0x7F, v12;
	v14 =	vadd.s32 v14, v15  }
0xb3: {  	v12 =	vor.u32 v12, v14;
	_ =	sdelay $0x3  }
0xb4: {  	[tilespmem:v16+s20+$0x0] =	vst.idx.msk $0x1, v13  }
0xb5: {  	v12 =	vld.idx.msk [tilespmem:v12+s19+$0x0], $0xffff;
	_ =	sdelay $0x1  }
.Ltmp7:
0xb6: {  	(pc) =	sbr.rel @p3 .LBB2_9-.Ltmp7, $3  }
0xb7: {  	_ =	sdelay $0x1  }
0xb8: {  	vm1 =	veq.s32 v11, v1  }
0xb9: {  	v11 =	vsel vm2, $0xFF800000, v12;
	v12 =	vsel vm1, $0x1, v8  }
.Ltmp8:
0xba: {  	(pc) =	sbr.rel .LBB2_11-.Ltmp8, $4  }
0xbb: {  	[spmem:s3] =	stream.linear.scatter [tilespmem:s20], [sflag:$0x2], $0x80, $0x38;
	[tilespmem:$0x4D80] =	vst v63  }
0xbc: {  	_ =	swait.ge [sflag:s17], $0x80  }
0xbd: {  	[sflag:s17] =	ssyncset.done $0x0  }
0xbe: {  	[sflag:s17] =	ssyncadd.s32 $0xFFFFFF80  }
.LBB2_12:
0xbf: {  	_ =	sfence.sel $0x180000  }
0xc0: {  	[bflag:$0x0] =	sbarrier.arrive $0xFFFF  }
0xc1: {  	p0 =	sne.s32 s0, $0x0;
	_ =	strace $0x90000047  }
0xc2: {  	s0 =	sadd.s32 @!p0 $0x100000, s2;
	[bflag:$0x2] =	sbarrier.arrive $0xFFFF  }
0xc3: {  	[sflag:s0] =	ssyncadd.tile.s32 @!p0 $0x1;
	_ =	shalt  }
.Lfunc_end2:
_tile_overlayer_lowered:
.L_overlay_start_2:
0xc4: {  	(tag) =	ssettag $0x2  }
0xc5: {  	s0 =	rddreg [dreg:$0x0];
	s2 =	stileid.u32  }
0xc6: {  	s1 =	rddreg [dreg:$0x1];
	p0 =	sne.s32 s2, $0x0  }
0xc7: {  	s3 =	rddreg [dreg:$0x2];
	[bflag:$0x3] =	sbarrier.arrive $0xFFFF;
	s2 =	simm.s32 @!p0 $0x1C02  }
0xc8: {  	[timem:s3], [sflag:s2] =	dma.local @!p0 [hbm:s0], s1  }
0xc9: {  	s0 =	simm.s32 @!p0 $0x2  }
0xca: {  	_ =	swait.ge @!p0 [sflag:s0], s1  }
0xcb: {  	s1 =	ssub.s32 @!p0 $0x0, s1;
	[sflag:s0] =	ssyncset.done @!p0 $0x0  }
0xcc: {  	[sflag:s0] =	ssyncadd.s32 @!p0 s1  }
0xcd: {  	[bflag:$0x3] =	sbarrier.arrive $0xFFFF  }
0xce: {  	_ =	shalt  }

</sc_bundles>
